<compile_context>
chip_gen: v7x
topology: tpu7x:2x2x1
jax: 0.10.2.dev20260603
libtpu: 0.0.44.dev20260713+nightly
codegen_flags: <defaults>
</compile_context>

<pallas_src>
import jax
import jax.numpy as jnp
from jax import lax
from jax.experimental import pallas as pl
from jax.experimental.pallas import tpu as pltpu
from jax.experimental.pallas import tpu_sc as plsc

N = 10000
E = 320000
D = 128

NC = 2
NS = 16
NW = NC * NS
EDGES_PER_W = E // NW
CHUNK = 64
NCH = 160
GRP = 8
NGP = NCH // GRP
NBUF = 4
N_PAD = 10240
ROWS_PER_TILE = N_PAD // NS
ZBLK = 128
DEG_ZBLK = 1024


def _make_sc_kernel():
    mesh = plsc.VectorSubcoreMesh(core_axis_name="c", subcore_axis_name="s",
                                  num_cores=NC, num_subcores=NS)

    def body(x_hbm, src_hbm, dst_hbm, z2_hbm, z1_hbm, ones_hbm,
             agg_hbm, deg_hbm,
             sb0, sb1, db0, db1, rows0, rows1, rows2, rows3, ones_v,
             agg_sh, deg_sh,
             g0, g1, g2, g3, is0, is1, id0, id1, qsem):
        c = lax.axis_index("c")
        s = lax.axis_index("s")
        wid = s * NC + c
        sb, db = (sb0, sb1), (db0, db1)
        rows = (rows0, rows1, rows2, rows3)
        gsem = (g0, g1, g2, g3)
        isem, dsem = (is0, is1), (id0, id1)

        pltpu.sync_copy(ones_hbm, ones_v)

        row0 = s * ROWS_PER_TILE
        for k in range(ROWS_PER_TILE // ZBLK):
            pltpu.sync_copy(z2_hbm, agg_sh.at[pl.ds(row0 + k * ZBLK, ZBLK)])

        @pl.when(s == 0)
        def _zero_deg():
            for k in range(N_PAD // DEG_ZBLK):
                pltpu.sync_copy(z1_hbm, deg_sh.at[pl.ds(k * DEG_ZBLK,
                                                        DEG_ZBLK)])

        def idx_prefetch(grp, slot):
            pltpu.async_copy(src_hbm.at[wid, pl.ds(grp * GRP, GRP)],
                             sb[slot], isem[slot])
            pltpu.async_copy(dst_hbm.at[wid, pl.ds(grp * GRP, GRP)],
                             db[slot], dsem[slot])

        def idx_wait(slot):
            pltpu.make_async_copy(src_hbm.at[0, pl.ds(0, GRP)],
                                  sb[slot], isem[slot]).wait()
            pltpu.make_async_copy(dst_hbm.at[0, pl.ds(0, GRP)],
                                  db[slot], dsem[slot]).wait()

        def deg_start(p, b):
            pltpu.async_copy(ones_v, deg_sh.at[db[p].at[b]], qsem, add=True)

        def deg_drain():
            for _ in range(GRP):
                pltpu.make_async_copy(ones_v, deg_sh.at[db0.at[0]],
                                      qsem).wait()

        def gather_start(slot, b, r):
            pltpu.async_copy(x_hbm.at[sb[slot].at[b]], rows[r], gsem[r])

        def gather_wait(r):
            pltpu.make_async_copy(x_hbm.at[sb0.at[0]], rows[r],
                                  gsem[r]).wait()

        idx_prefetch(0, 0)
        idx_wait(0)
        plsc.subcore_barrier()
        for b in range(NBUF):
            gather_start(0, b, b)

        def run_group(g, p, skip_tail):
            @pl.when(g > 0)
            def _deg_drain():
                deg_drain()

            idx_prefetch(jnp.minimum(g + 1, NGP - 1), 1 - p)
            for b in range(GRP):
                r = b % NBUF
                gather_wait(r)
                pltpu.sync_copy(rows[r], agg_sh.at[db[p].at[b]], add=True)
                deg_start(p, b)
                if b == GRP - NBUF:
                    idx_wait(1 - p)
                if b < GRP - NBUF:
                    gather_start(p, b + NBUF, r)
                elif skip_tail is None:
                    gather_start(1 - p, b - (GRP - NBUF), r)
                else:
                    @pl.when(skip_tail)
                    def _tail():
                        gather_start(1 - p, b - (GRP - NBUF), r)

        @pl.loop(0, NGP // 2)
        def _pair(m):
            run_group(2 * m, 0, None)
            run_group(2 * m + 1, 1, m < NGP // 2 - 1)

        deg_drain()
        plsc.subcore_barrier()

        pltpu.sync_copy(agg_sh.at[pl.ds(row0, ROWS_PER_TILE)],
                        agg_hbm.at[c, pl.ds(row0, ROWS_PER_TILE)])

        @pl.when(s == 0)
        def _deg_out():
            pltpu.sync_copy(deg_sh, deg_hbm.at[c])

    return pl.kernel(
        body,
        out_type=(
            jax.ShapeDtypeStruct((NC, N_PAD, D), jnp.float32),
            jax.ShapeDtypeStruct((NC, N_PAD), jnp.float32),
        ),
        mesh=mesh,
        scratch_types=[
            pltpu.VMEM((GRP, CHUNK), jnp.int32),
            pltpu.VMEM((GRP, CHUNK), jnp.int32),
            pltpu.VMEM((GRP, CHUNK), jnp.int32),
            pltpu.VMEM((GRP, CHUNK), jnp.int32),
            pltpu.VMEM((CHUNK, D), jnp.float32),
            pltpu.VMEM((CHUNK, D), jnp.float32),
            pltpu.VMEM((CHUNK, D), jnp.float32),
            pltpu.VMEM((CHUNK, D), jnp.float32),
            pltpu.VMEM((CHUNK,), jnp.float32),
            pltpu.VMEM_SHARED((N_PAD, D), jnp.float32),
            pltpu.VMEM_SHARED((N_PAD,), jnp.float32),
            pltpu.SemaphoreType.DMA,
            pltpu.SemaphoreType.DMA,
            pltpu.SemaphoreType.DMA,
            pltpu.SemaphoreType.DMA,
            pltpu.SemaphoreType.DMA,
            pltpu.SemaphoreType.DMA,
            pltpu.SemaphoreType.DMA,
            pltpu.SemaphoreType.DMA,
            pltpu.SemaphoreType.DMA,
        ],
        name="sage_scatter_sc",
    )


_sc_kernel = _make_sc_kernel()

BLK = 2000


def _tc_body(x_ref, a0_ref, a1_ref, d0_ref, d1_ref, wl_ref, wr_ref, b_ref,
             o_ref):
    deg = d0_ref[...] + d1_ref[...]
    inv = 1.0 / jnp.maximum(deg, 1.0)
    mean = (a0_ref[...] + a1_ref[...]) * inv
    x = x_ref[...]
    node_emb = (jnp.dot(mean, wl_ref[...], preferred_element_type=jnp.float32)
                + b_ref[...]
                + jnp.dot(x, wr_ref[...], preferred_element_type=jnp.float32))
    o_ref[...] = 0.5 * (x + node_emb)


@jax.jit
def kernel(x, edge_index, W_l, b_l, W_r):
    pad = NCH * CHUNK - EDGES_PER_W
    pad_src = jnp.broadcast_to(jnp.arange(pad, dtype=jnp.int32), (NW, pad))
    pad_dst = pad_src + N
    src = jnp.concatenate(
        [edge_index[0].reshape(NW, EDGES_PER_W), pad_src],
        axis=1).reshape(NW, NCH, CHUNK)
    dst = jnp.concatenate(
        [edge_index[1].reshape(NW, EDGES_PER_W), pad_dst],
        axis=1).reshape(NW, NCH, CHUNK)
    zeros2d = jnp.zeros((ZBLK, D), jnp.float32)
    zeros1d = jnp.zeros((DEG_ZBLK,), jnp.float32)
    ones = jnp.ones((CHUNK,), jnp.float32)

    agg, deg = _sc_kernel(x, src, dst, zeros2d, zeros1d, ones)

    row_spec = pl.BlockSpec((BLK, D), lambda i: (i, 0))
    deg_spec = pl.BlockSpec((BLK, 1), lambda i: (i, 0))
    mat_spec = pl.BlockSpec((D, D), lambda i: (0, 0))
    bias_spec = pl.BlockSpec((1, D), lambda i: (0, 0))

    out = pl.pallas_call(
        _tc_body,
        grid=(N // BLK,),
        in_specs=[row_spec, row_spec, row_spec, deg_spec, deg_spec,
                  mat_spec, mat_spec, bias_spec],
        out_specs=row_spec,
        out_shape=jax.ShapeDtypeStruct((N, D), jnp.float32),
    )(x, agg[0], agg[1], deg[0, :, None], deg[1, :, None],
      W_l.T, W_r.T, b_l[None, :])
    return out

# --- scband reference (transcript-rebuilt; emitter-appended) ---
"""Pipeline reference for scband-gnnencoder-18769007084367 (READ-ONLY COPY).

The authoritative reference and input builder live on the scoring server;
editing this copy changes nothing except your own understanding.
"""

import jax, jax.numpy as jnp
import numpy as np

N = 10000
E = 320000
D = 128


def setup_inputs(seed: int = 0) -> dict:
    key = jax.random.key(seed)
    k1, k2, k3, k4 = jax.random.split(key, 4)
    x = jax.random.normal(k1, (N, D), dtype=jnp.float32)
    edge_index = jax.random.randint(k2, (2, E), 0, N, dtype=jnp.int32)
    scale = 1.0 / np.sqrt(D)
    # SAGEConv params: lin_l applied to aggregated neighbors (with bias), lin_r to root
    W_l = jax.random.normal(k3, (D, D), dtype=jnp.float32) * scale
    b_l = jnp.zeros((D,), dtype=jnp.float32)
    W_r = jax.random.normal(k4, (D, D), dtype=jnp.float32) * scale
    return {"x": x, "edge_index": edge_index, "W_l": W_l, "b_l": b_l, "W_r": W_r}


def reference(x, edge_index, W_l, b_l, W_r):
    # GNNEncoder with n_layers=1, gnn_type='SAGE':
    # layer_node_emb = [x]; node_emb = SAGEConv(x, edge_index); return mean(stack([x, node_emb]))
    src = edge_index[0]
    dst = edge_index[1]
    # message: gather source node features
    msgs = jnp.take(x, src, axis=0)
    # mean aggregation over destination nodes (scatter-add + degree normalize)
    agg = jax.ops.segment_sum(msgs, dst, num_segments=N)
    deg = jax.ops.segment_sum(jnp.ones((E,), dtype=x.dtype), dst, num_segments=N)
    mean_agg = agg / jnp.clip(deg, 1.0)[:, None]
    # SAGEConv: lin_l(mean_agg) + lin_r(x)
    node_emb = mean_agg @ W_l.T + b_l + x @ W_r.T
    # mean over stacked [x, node_emb]
    return (x + node_emb) / 2.0

if __name__ == "__main__":
    import jax
    _d = setup_inputs()
    print(jax.jit(kernel)(*tuple(_d.values())))

</pallas_src>

<mosaic_0001>
#map = affine_map<(d0, d1) -> (0, 0)>
#map1 = affine_map<(d0, d1) -> (0, 0, 0)>
#map2 = affine_map<(d0, d1) -> (0)>
module attributes {stable_mosaic.version = 14 : i64} {
  func.func @sage_scatter_sc(%arg0: i32, %arg1: i32, %arg2: memref<10000x128xf32, #tpu.memory_space<hbm>>, %arg3: memref<32x160x64xi32, #tpu.memory_space<hbm>>, %arg4: memref<32x160x64xi32, #tpu.memory_space<hbm>>, %arg5: memref<128x128xf32, #tpu.memory_space<hbm>>, %arg6: memref<1024xf32, #tpu.memory_space<hbm>>, %arg7: memref<64xf32, #tpu.memory_space<hbm>>, %arg8: memref<2x10240x128xf32, #tpu.memory_space<hbm>>, %arg9: memref<2x10240xf32, #tpu.memory_space<hbm>>, %arg10: memref<8x64xi32, #tpu.memory_space<vmem>>, %arg11: memref<8x64xi32, #tpu.memory_space<vmem>>, %arg12: memref<8x64xi32, #tpu.memory_space<vmem>>, %arg13: memref<8x64xi32, #tpu.memory_space<vmem>>, %arg14: memref<64x128xf32, #tpu.memory_space<vmem>>, %arg15: memref<64x128xf32, #tpu.memory_space<vmem>>, %arg16: memref<64x128xf32, #tpu.memory_space<vmem>>, %arg17: memref<64x128xf32, #tpu.memory_space<vmem>>, %arg18: memref<64xf32, #tpu.memory_space<vmem>>, %arg19: memref<10240x128xf32, #tpu.memory_space<vmem_shared>>, %arg20: memref<10240xf32, #tpu.memory_space<vmem_shared>>, %arg21: memref<!tpu.dma_semaphore, #tpu.memory_space<semaphore_mem>>, %arg22: memref<!tpu.dma_semaphore, #tpu.memory_space<semaphore_mem>>, %arg23: memref<!tpu.dma_semaphore, #tpu.memory_space<semaphore_mem>>, %arg24: memref<!tpu.dma_semaphore, #tpu.memory_space<semaphore_mem>>, %arg25: memref<!tpu.dma_semaphore, #tpu.memory_space<semaphore_mem>>, %arg26: memref<!tpu.dma_semaphore, #tpu.memory_space<semaphore_mem>>, %arg27: memref<!tpu.dma_semaphore, #tpu.memory_space<semaphore_mem>>, %arg28: memref<!tpu.dma_semaphore, #tpu.memory_space<semaphore_mem>>, %arg29: memref<!tpu.dma_semaphore, #tpu.memory_space<semaphore_mem>>) attributes {dimension_semantics = [#tpu.dimension_semantics<core_parallel>, #tpu.dimension_semantics<subcore_parallel>], iteration_bounds = array<i64: 2, 16>, scalar_prefetch = 0 : i64, scratch_operands = 20 : i64, tpu.core_type = #tpu.core_type<sc_vector_subcore>, window_params = [{transform_indices = #map}, {transform_indices = #map1}, {transform_indices = #map1}, {transform_indices = #map}, {transform_indices = #map2}, {transform_indices = #map2}, {transform_indices = #map1}, {transform_indices = #map}]} {
    %mul3A = arith.constant 2 : i32
    %mul3A_0 = arith.muli %arg1, %mul3A : i32
    %add3A = arith.addi %mul3A_0, %arg0 : i32
    "tpu.region"() ({
      %run_scoped3A = tpu.sem_alloc : memref<!tpu.dma_semaphore, #tpu.memory_space<semaphore_mem>>
      tpu.enqueue_dma source(%arg7 : memref<64xf32, #tpu.memory_space<hbm>>) target(%arg18 : memref<64xf32, #tpu.memory_space<vmem>>) target_semaphore(%run_scoped3A : memref<!tpu.dma_semaphore, #tpu.memory_space<semaphore_mem>>)
      tpu.wait_dma2 semaphore(%run_scoped3A : memref<!tpu.dma_semaphore, #tpu.memory_space<semaphore_mem>>) src(%arg7 : memref<64xf32, #tpu.memory_space<hbm>>) dst(%arg18 : memref<64xf32, #tpu.memory_space<vmem>>)
      tpu.yield
    }) : () -> ()
    %mul3A_1 = arith.constant 640 : i32
    %mul3A_2 = arith.muli %arg1, %mul3A_1 : i32
    %add3A_3 = arith.constant 0 : i32
    %add3A_4 = arith.addi %mul3A_2, %add3A_3 : i32
    "tpu.region"() ({
      %run_scoped3A = tpu.sem_alloc : memref<!tpu.dma_semaphore, #tpu.memory_space<semaphore_mem>>
      %dma_start3A_133 = arith.constant 0 : i32
      %dma_start3A_134 = tpu.memref_slice %arg19[%add3A_4, %dma_start3A_133] : memref<10240x128xf32, #tpu.memory_space<vmem_shared>> -> memref<128x128xf32, #tpu.memory_space<vmem_shared>>
      tpu.enqueue_dma source(%arg5 : memref<128x128xf32, #tpu.memory_space<hbm>>) target(%dma_start3A_134 : memref<128x128xf32, #tpu.memory_space<vmem_shared>>) target_semaphore(%run_scoped3A : memref<!tpu.dma_semaphore, #tpu.memory_space<semaphore_mem>>)
      %dma_wait3A_135 = arith.constant 0 : i32
      %dma_wait3A_136 = tpu.memref_slice %arg19[%add3A_4, %dma_wait3A_135] : memref<10240x128xf32, #tpu.memory_space<vmem_shared>> -> memref<128x128xf32, #tpu.memory_space<vmem_shared>>
      tpu.wait_dma2 semaphore(%run_scoped3A : memref<!tpu.dma_semaphore, #tpu.memory_space<semaphore_mem>>) src(%arg5 : memref<128x128xf32, #tpu.memory_space<hbm>>) dst(%dma_wait3A_136 : memref<128x128xf32, #tpu.memory_space<vmem_shared>>)
      tpu.yield
    }) : () -> ()
    %add3A_5 = arith.constant 128 : i32
    %add3A_6 = arith.addi %mul3A_2, %add3A_5 : i32
    "tpu.region"() ({
      %run_scoped3A = tpu.sem_alloc : memref<!tpu.dma_semaphore, #tpu.memory_space<semaphore_mem>>
      %dma_start3A_133 = arith.constant 0 : i32
      %dma_start3A_134 = tpu.memref_slice %arg19[%add3A_6, %dma_start3A_133] : memref<10240x128xf32, #tpu.memory_space<vmem_shared>> -> memref<128x128xf32, #tpu.memory_space<vmem_shared>>
      tpu.enqueue_dma source(%arg5 : memref<128x128xf32, #tpu.memory_space<hbm>>) target(%dma_start3A_134 : memref<128x128xf32, #tpu.memory_space<vmem_shared>>) target_semaphore(%run_scoped3A : memref<!tpu.dma_semaphore, #tpu.memory_space<semaphore_mem>>)
      %dma_wait3A_135 = arith.constant 0 : i32
      %dma_wait3A_136 = tpu.memref_slice %arg19[%add3A_6, %dma_wait3A_135] : memref<10240x128xf32, #tpu.memory_space<vmem_shared>> -> memref<128x128xf32, #tpu.memory_space<vmem_shared>>
      tpu.wait_dma2 semaphore(%run_scoped3A : memref<!tpu.dma_semaphore, #tpu.memory_space<semaphore_mem>>) src(%arg5 : memref<128x128xf32, #tpu.memory_space<hbm>>) dst(%dma_wait3A_136 : memref<128x128xf32, #tpu.memory_space<vmem_shared>>)
      tpu.yield
    }) : () -> ()
    %add3A_7 = arith.constant 256 : i32
    %add3A_8 = arith.addi %mul3A_2, %add3A_7 : i32
    "tpu.region"() ({
      %run_scoped3A = tpu.sem_alloc : memref<!tpu.dma_semaphore, #tpu.memory_space<semaphore_mem>>
      %dma_start3A_133 = arith.constant 0 : i32
      %dma_start3A_134 = tpu.memref_slice %arg19[%add3A_8, %dma_start3A_133] : memref<10240x128xf32, #tpu.memory_space<vmem_shared>> -> memref<128x128xf32, #tpu.memory_space<vmem_shared>>
      tpu.enqueue_dma source(%arg5 : memref<128x128xf32, #tpu.memory_space<hbm>>) target(%dma_start3A_134 : memref<128x128xf32, #tpu.memory_space<vmem_shared>>) target_semaphore(%run_scoped3A : memref<!tpu.dma_semaphore, #tpu.memory_space<semaphore_mem>>)
      %dma_wait3A_135 = arith.constant 0 : i32
      %dma_wait3A_136 = tpu.memref_slice %arg19[%add3A_8, %dma_wait3A_135] : memref<10240x128xf32, #tpu.memory_space<vmem_shared>> -> memref<128x128xf32, #tpu.memory_space<vmem_shared>>
      tpu.wait_dma2 semaphore(%run_scoped3A : memref<!tpu.dma_semaphore, #tpu.memory_space<semaphore_mem>>) src(%arg5 : memref<128x128xf32, #tpu.memory_space<hbm>>) dst(%dma_wait3A_136 : memref<128x128xf32, #tpu.memory_space<vmem_shared>>)
      tpu.yield
    }) : () -> ()
    %add3A_9 = arith.constant 384 : i32
    %add3A_10 = arith.addi %mul3A_2, %add3A_9 : i32
    "tpu.region"() ({
      %run_scoped3A = tpu.sem_alloc : memref<!tpu.dma_semaphore, #tpu.memory_space<semaphore_mem>>
      %dma_start3A_133 = arith.constant 0 : i32
      %dma_start3A_134 = tpu.memref_slice %arg19[%add3A_10, %dma_start3A_133] : memref<10240x128xf32, #tpu.memory_space<vmem_shared>> -> memref<128x128xf32, #tpu.memory_space<vmem_shared>>
      tpu.enqueue_dma source(%arg5 : memref<128x128xf32, #tpu.memory_space<hbm>>) target(%dma_start3A_134 : memref<128x128xf32, #tpu.memory_space<vmem_shared>>) target_semaphore(%run_scoped3A : memref<!tpu.dma_semaphore, #tpu.memory_space<semaphore_mem>>)
      %dma_wait3A_135 = arith.constant 0 : i32
      %dma_wait3A_136 = tpu.memref_slice %arg19[%add3A_10, %dma_wait3A_135] : memref<10240x128xf32, #tpu.memory_space<vmem_shared>> -> memref<128x128xf32, #tpu.memory_space<vmem_shared>>
      tpu.wait_dma2 semaphore(%run_scoped3A : memref<!tpu.dma_semaphore, #tpu.memory_space<semaphore_mem>>) src(%arg5 : memref<128x128xf32, #tpu.memory_space<hbm>>) dst(%dma_wait3A_136 : memref<128x128xf32, #tpu.memory_space<vmem_shared>>)
      tpu.yield
    }) : () -> ()
    %add3A_11 = arith.constant 512 : i32
    %add3A_12 = arith.addi %mul3A_2, %add3A_11 : i32
    "tpu.region"() ({
      %run_scoped3A = tpu.sem_alloc : memref<!tpu.dma_semaphore, #tpu.memory_space<semaphore_mem>>
      %dma_start3A_133 = arith.constant 0 : i32
      %dma_start3A_134 = tpu.memref_slice %arg19[%add3A_12, %dma_start3A_133] : memref<10240x128xf32, #tpu.memory_space<vmem_shared>> -> memref<128x128xf32, #tpu.memory_space<vmem_shared>>
      tpu.enqueue_dma source(%arg5 : memref<128x128xf32, #tpu.memory_space<hbm>>) target(%dma_start3A_134 : memref<128x128xf32, #tpu.memory_space<vmem_shared>>) target_semaphore(%run_scoped3A : memref<!tpu.dma_semaphore, #tpu.memory_space<semaphore_mem>>)
      %dma_wait3A_135 = arith.constant 0 : i32
      %dma_wait3A_136 = tpu.memref_slice %arg19[%add3A_12, %dma_wait3A_135] : memref<10240x128xf32, #tpu.memory_space<vmem_shared>> -> memref<128x128xf32, #tpu.memory_space<vmem_shared>>
      tpu.wait_dma2 semaphore(%run_scoped3A : memref<!tpu.dma_semaphore, #tpu.memory_space<semaphore_mem>>) src(%arg5 : memref<128x128xf32, #tpu.memory_space<hbm>>) dst(%dma_wait3A_136 : memref<128x128xf32, #tpu.memory_space<vmem_shared>>)
      tpu.yield
    }) : () -> ()
    %eq3A = arith.constant 0 : i32
    %eq3A_13 = arith.cmpi eq, %arg1, %eq3A : i32
    %convert_element_type3A = arith.extui %eq3A_13 : i1 to i32
    %cond3A = arith.constant 0 : i32
    %cond3A_14 = arith.cmpi ne, %convert_element_type3A, %cond3A : i32
    scf.if %cond3A_14 {
      "tpu.region"() ({
        %run_scoped3A = tpu.sem_alloc : memref<!tpu.dma_semaphore, #tpu.memory_space<semaphore_mem>>
        %dma_start3A_133 = arith.constant 0 : i32
        %dma_start3A_134 = tpu.memref_slice %arg20[%dma_start3A_133] : memref<10240xf32, #tpu.memory_space<vmem_shared>> -> memref<1024xf32, #tpu.memory_space<vmem_shared>>
        tpu.enqueue_dma source(%arg6 : memref<1024xf32, #tpu.memory_space<hbm>>) target(%dma_start3A_134 : memref<1024xf32, #tpu.memory_space<vmem_shared>>) target_semaphore(%run_scoped3A : memref<!tpu.dma_semaphore, #tpu.memory_space<semaphore_mem>>)
        %dma_wait3A_135 = arith.constant 0 : i32
        %dma_wait3A_136 = tpu.memref_slice %arg20[%dma_wait3A_135] : memref<10240xf32, #tpu.memory_space<vmem_shared>> -> memref<1024xf32, #tpu.memory_space<vmem_shared>>
        tpu.wait_dma2 semaphore(%run_scoped3A : memref<!tpu.dma_semaphore, #tpu.memory_space<semaphore_mem>>) src(%arg6 : memref<1024xf32, #tpu.memory_space<hbm>>) dst(%dma_wait3A_136 : memref<1024xf32, #tpu.memory_space<vmem_shared>>)
        tpu.yield
      }) : () -> ()
      "tpu.region"() ({
        %run_scoped3A = tpu.sem_alloc : memref<!tpu.dma_semaphore, #tpu.memory_space<semaphore_mem>>
        %dma_start3A_133 = arith.constant 1024 : i32
        %dma_start3A_134 = tpu.memref_slice %arg20[%dma_start3A_133] : memref<10240xf32, #tpu.memory_space<vmem_shared>> -> memref<1024xf32, #tpu.memory_space<vmem_shared>>
        tpu.enqueue_dma source(%arg6 : memref<1024xf32, #tpu.memory_space<hbm>>) target(%dma_start3A_134 : memref<1024xf32, #tpu.memory_space<vmem_shared>>) target_semaphore(%run_scoped3A : memref<!tpu.dma_semaphore, #tpu.memory_space<semaphore_mem>>)
        %dma_wait3A_135 = arith.constant 1024 : i32
        %dma_wait3A_136 = tpu.memref_slice %arg20[%dma_wait3A_135] : memref<10240xf32, #tpu.memory_space<vmem_shared>> -> memref<1024xf32, #tpu.memory_space<vmem_shared>>
        tpu.wait_dma2 semaphore(%run_scoped3A : memref<!tpu.dma_semaphore, #tpu.memory_space<semaphore_mem>>) src(%arg6 : memref<1024xf32, #tpu.memory_space<hbm>>) dst(%dma_wait3A_136 : memref<1024xf32, #tpu.memory_space<vmem_shared>>)
        tpu.yield
      }) : () -> ()
      "tpu.region"() ({
        %run_scoped3A = tpu.sem_alloc : memref<!tpu.dma_semaphore, #tpu.memory_space<semaphore_mem>>
        %dma_start3A_133 = arith.constant 2048 : i32
        %dma_start3A_134 = tpu.memref_slice %arg20[%dma_start3A_133] : memref<10240xf32, #tpu.memory_space<vmem_shared>> -> memref<1024xf32, #tpu.memory_space<vmem_shared>>
        tpu.enqueue_dma source(%arg6 : memref<1024xf32, #tpu.memory_space<hbm>>) target(%dma_start3A_134 : memref<1024xf32, #tpu.memory_space<vmem_shared>>) target_semaphore(%run_scoped3A : memref<!tpu.dma_semaphore, #tpu.memory_space<semaphore_mem>>)
        %dma_wait3A_135 = arith.constant 2048 : i32
        %dma_wait3A_136 = tpu.memref_slice %arg20[%dma_wait3A_135] : memref<10240xf32, #tpu.memory_space<vmem_shared>> -> memref<1024xf32, #tpu.memory_space<vmem_shared>>
        tpu.wait_dma2 semaphore(%run_scoped3A : memref<!tpu.dma_semaphore, #tpu.memory_space<semaphore_mem>>) src(%arg6 : memref<1024xf32, #tpu.memory_space<hbm>>) dst(%dma_wait3A_136 : memref<1024xf32, #tpu.memory_space<vmem_shared>>)
        tpu.yield
      }) : () -> ()
      "tpu.region"() ({
        %run_scoped3A = tpu.sem_alloc : memref<!tpu.dma_semaphore, #tpu.memory_space<semaphore_mem>>
        %dma_start3A_133 = arith.constant 3072 : i32
        %dma_start3A_134 = tpu.memref_slice %arg20[%dma_start3A_133] : memref<10240xf32, #tpu.memory_space<vmem_shared>> -> memref<1024xf32, #tpu.memory_space<vmem_shared>>
        tpu.enqueue_dma source(%arg6 : memref<1024xf32, #tpu.memory_space<hbm>>) target(%dma_start3A_134 : memref<1024xf32, #tpu.memory_space<vmem_shared>>) target_semaphore(%run_scoped3A : memref<!tpu.dma_semaphore, #tpu.memory_space<semaphore_mem>>)
        %dma_wait3A_135 = arith.constant 3072 : i32
        %dma_wait3A_136 = tpu.memref_slice %arg20[%dma_wait3A_135] : memref<10240xf32, #tpu.memory_space<vmem_shared>> -> memref<1024xf32, #tpu.memory_space<vmem_shared>>
        tpu.wait_dma2 semaphore(%run_scoped3A : memref<!tpu.dma_semaphore, #tpu.memory_space<semaphore_mem>>) src(%arg6 : memref<1024xf32, #tpu.memory_space<hbm>>) dst(%dma_wait3A_136 : memref<1024xf32, #tpu.memory_space<vmem_shared>>)
        tpu.yield
      }) : () -> ()
      "tpu.region"() ({
        %run_scoped3A = tpu.sem_alloc : memref<!tpu.dma_semaphore, #tpu.memory_space<semaphore_mem>>
        %dma_start3A_133 = arith.constant 4096 : i32
        %dma_start3A_134 = tpu.memref_slice %arg20[%dma_start3A_133] : memref<10240xf32, #tpu.memory_space<vmem_shared>> -> memref<1024xf32, #tpu.memory_space<vmem_shared>>
        tpu.enqueue_dma source(%arg6 : memref<1024xf32, #tpu.memory_space<hbm>>) target(%dma_start3A_134 : memref<1024xf32, #tpu.memory_space<vmem_shared>>) target_semaphore(%run_scoped3A : memref<!tpu.dma_semaphore, #tpu.memory_space<semaphore_mem>>)
        %dma_wait3A_135 = arith.constant 4096 : i32
        %dma_wait3A_136 = tpu.memref_slice %arg20[%dma_wait3A_135] : memref<10240xf32, #tpu.memory_space<vmem_shared>> -> memref<1024xf32, #tpu.memory_space<vmem_shared>>
        tpu.wait_dma2 semaphore(%run_scoped3A : memref<!tpu.dma_semaphore, #tpu.memory_space<semaphore_mem>>) src(%arg6 : memref<1024xf32, #tpu.memory_space<hbm>>) dst(%dma_wait3A_136 : memref<1024xf32, #tpu.memory_space<vmem_shared>>)
        tpu.yield
      }) : () -> ()
      "tpu.region"() ({
        %run_scoped3A = tpu.sem_alloc : memref<!tpu.dma_semaphore, #tpu.memory_space<semaphore_mem>>
        %dma_start3A_133 = arith.constant 5120 : i32
        %dma_start3A_134 = tpu.memref_slice %arg20[%dma_start3A_133] : memref<10240xf32, #tpu.memory_space<vmem_shared>> -> memref<1024xf32, #tpu.memory_space<vmem_shared>>
        tpu.enqueue_dma source(%arg6 : memref<1024xf32, #tpu.memory_space<hbm>>) target(%dma_start3A_134 : memref<1024xf32, #tpu.memory_space<vmem_shared>>) target_semaphore(%run_scoped3A : memref<!tpu.dma_semaphore, #tpu.memory_space<semaphore_mem>>)
        %dma_wait3A_135 = arith.constant 5120 : i32
        %dma_wait3A_136 = tpu.memref_slice %arg20[%dma_wait3A_135] : memref<10240xf32, #tpu.memory_space<vmem_shared>> -> memref<1024xf32, #tpu.memory_space<vmem_shared>>
        tpu.wait_dma2 semaphore(%run_scoped3A : memref<!tpu.dma_semaphore, #tpu.memory_space<semaphore_mem>>) src(%arg6 : memref<1024xf32, #tpu.memory_space<hbm>>) dst(%dma_wait3A_136 : memref<1024xf32, #tpu.memory_space<vmem_shared>>)
        tpu.yield
      }) : () -> ()
      "tpu.region"() ({
        %run_scoped3A = tpu.sem_alloc : memref<!tpu.dma_semaphore, #tpu.memory_space<semaphore_mem>>
        %dma_start3A_133 = arith.constant 6144 : i32
        %dma_start3A_134 = tpu.memref_slice %arg20[%dma_start3A_133] : memref<10240xf32, #tpu.memory_space<vmem_shared>> -> memref<1024xf32, #tpu.memory_space<vmem_shared>>
        tpu.enqueue_dma source(%arg6 : memref<1024xf32, #tpu.memory_space<hbm>>) target(%dma_start3A_134 : memref<1024xf32, #tpu.memory_space<vmem_shared>>) target_semaphore(%run_scoped3A : memref<!tpu.dma_semaphore, #tpu.memory_space<semaphore_mem>>)
        %dma_wait3A_135 = arith.constant 6144 : i32
        %dma_wait3A_136 = tpu.memref_slice %arg20[%dma_wait3A_135] : memref<10240xf32, #tpu.memory_space<vmem_shared>> -> memref<1024xf32, #tpu.memory_space<vmem_shared>>
        tpu.wait_dma2 semaphore(%run_scoped3A : memref<!tpu.dma_semaphore, #tpu.memory_space<semaphore_mem>>) src(%arg6 : memref<1024xf32, #tpu.memory_space<hbm>>) dst(%dma_wait3A_136 : memref<1024xf32, #tpu.memory_space<vmem_shared>>)
        tpu.yield
      }) : () -> ()
      "tpu.region"() ({
        %run_scoped3A = tpu.sem_alloc : memref<!tpu.dma_semaphore, #tpu.memory_space<semaphore_mem>>
        %dma_start3A_133 = arith.constant 7168 : i32
        %dma_start3A_134 = tpu.memref_slice %arg20[%dma_start3A_133] : memref<10240xf32, #tpu.memory_space<vmem_shared>> -> memref<1024xf32, #tpu.memory_space<vmem_shared>>
        tpu.enqueue_dma source(%arg6 : memref<1024xf32, #tpu.memory_space<hbm>>) target(%dma_start3A_134 : memref<1024xf32, #tpu.memory_space<vmem_shared>>) target_semaphore(%run_scoped3A : memref<!tpu.dma_semaphore, #tpu.memory_space<semaphore_mem>>)
        %dma_wait3A_135 = arith.constant 7168 : i32
        %dma_wait3A_136 = tpu.memref_slice %arg20[%dma_wait3A_135] : memref<10240xf32, #tpu.memory_space<vmem_shared>> -> memref<1024xf32, #tpu.memory_space<vmem_shared>>
        tpu.wait_dma2 semaphore(%run_scoped3A : memref<!tpu.dma_semaphore, #tpu.memory_space<semaphore_mem>>) src(%arg6 : memref<1024xf32, #tpu.memory_space<hbm>>) dst(%dma_wait3A_136 : memref<1024xf32, #tpu.memory_space<vmem_shared>>)
        tpu.yield
      }) : () -> ()
      "tpu.region"() ({
        %run_scoped3A = tpu.sem_alloc : memref<!tpu.dma_semaphore, #tpu.memory_space<semaphore_mem>>
        %dma_start3A_133 = arith.constant 8192 : i32
        %dma_start3A_134 = tpu.memref_slice %arg20[%dma_start3A_133] : memref<10240xf32, #tpu.memory_space<vmem_shared>> -> memref<1024xf32, #tpu.memory_space<vmem_shared>>
        tpu.enqueue_dma source(%arg6 : memref<1024xf32, #tpu.memory_space<hbm>>) target(%dma_start3A_134 : memref<1024xf32, #tpu.memory_space<vmem_shared>>) target_semaphore(%run_scoped3A : memref<!tpu.dma_semaphore, #tpu.memory_space<semaphore_mem>>)
        %dma_wait3A_135 = arith.constant 8192 : i32
        %dma_wait3A_136 = tpu.memref_slice %arg20[%dma_wait3A_135] : memref<10240xf32, #tpu.memory_space<vmem_shared>> -> memref<1024xf32, #tpu.memory_space<vmem_shared>>
        tpu.wait_dma2 semaphore(%run_scoped3A : memref<!tpu.dma_semaphore, #tpu.memory_space<semaphore_mem>>) src(%arg6 : memref<1024xf32, #tpu.memory_space<hbm>>) dst(%dma_wait3A_136 : memref<1024xf32, #tpu.memory_space<vmem_shared>>)
        tpu.yield
      }) : () -> ()
      "tpu.region"() ({
        %run_scoped3A = tpu.sem_alloc : memref<!tpu.dma_semaphore, #tpu.memory_space<semaphore_mem>>
        %dma_start3A_133 = arith.constant 9216 : i32
        %dma_start3A_134 = tpu.memref_slice %arg20[%dma_start3A_133] : memref<10240xf32, #tpu.memory_space<vmem_shared>> -> memref<1024xf32, #tpu.memory_space<vmem_shared>>
        tpu.enqueue_dma source(%arg6 : memref<1024xf32, #tpu.memory_space<hbm>>) target(%dma_start3A_134 : memref<1024xf32, #tpu.memory_space<vmem_shared>>) target_semaphore(%run_scoped3A : memref<!tpu.dma_semaphore, #tpu.memory_space<semaphore_mem>>)
        %dma_wait3A_135 = arith.constant 9216 : i32
        %dma_wait3A_136 = tpu.memref_slice %arg20[%dma_wait3A_135] : memref<10240xf32, #tpu.memory_space<vmem_shared>> -> memref<1024xf32, #tpu.memory_space<vmem_shared>>
        tpu.wait_dma2 semaphore(%run_scoped3A : memref<!tpu.dma_semaphore, #tpu.memory_space<semaphore_mem>>) src(%arg6 : memref<1024xf32, #tpu.memory_space<hbm>>) dst(%dma_wait3A_136 : memref<1024xf32, #tpu.memory_space<vmem_shared>>)
        tpu.yield
      }) : () -> ()
    } else {
    }
    %dma_start3A = arith.constant 0 : i32
    %dma_start3A_15 = arith.constant 0 : i32
    %dma_start3A_16 = tpu.memref_slice %arg3[%add3A, %dma_start3A, %dma_start3A_15] : memref<32x160x64xi32, #tpu.memory_space<hbm>> -> memref<1x8x64xi32, #tpu.memory_space<hbm>>
    %dma_start3A_17 = tpu.memref_squeeze %dma_start3A_16 : memref<1x8x64xi32, #tpu.memory_space<hbm>> -> memref<8x64xi32, #tpu.memory_space<hbm>>
    %dma_start3A_18 = arith.constant 0 : i32
    %dma_start3A_19 = arith.constant 0 : i32
    %dma_start3A_20 = tpu.memref_slice %arg3[%add3A, %dma_start3A_18, %dma_start3A_19] : memref<32x160x64xi32, #tpu.memory_space<hbm>> -> memref<1x8x64xi32, #tpu.memory_space<hbm>>
    %dma_start3A_21 = tpu.memref_squeeze %dma_start3A_20 : memref<1x8x64xi32, #tpu.memory_space<hbm>> -> memref<8x64xi32, #tpu.memory_space<hbm>>
    tpu.enqueue_dma source(%dma_start3A_21 : memref<8x64xi32, #tpu.memory_space<hbm>>) target(%arg10 : memref<8x64xi32, #tpu.memory_space<vmem>>) target_semaphore(%arg25 : memref<!tpu.dma_semaphore, #tpu.memory_space<semaphore_mem>>)
    %dma_start3A_22 = arith.constant 0 : i32
    %dma_start3A_23 = arith.constant 0 : i32
    %dma_start3A_24 = tpu.memref_slice %arg4[%add3A, %dma_start3A_22, %dma_start3A_23] : memref<32x160x64xi32, #tpu.memory_space<hbm>> -> memref<1x8x64xi32, #tpu.memory_space<hbm>>
    %dma_start3A_25 = tpu.memref_squeeze %dma_start3A_24 : memref<1x8x64xi32, #tpu.memory_space<hbm>> -> memref<8x64xi32, #tpu.memory_space<hbm>>
    %dma_start3A_26 = arith.constant 0 : i32
    %dma_start3A_27 = arith.constant 0 : i32
    %dma_start3A_28 = tpu.memref_slice %arg4[%add3A, %dma_start3A_26, %dma_start3A_27] : memref<32x160x64xi32, #tpu.memory_space<hbm>> -> memref<1x8x64xi32, #tpu.memory_space<hbm>>
    %dma_start3A_29 = tpu.memref_squeeze %dma_start3A_28 : memref<1x8x64xi32, #tpu.memory_space<hbm>> -> memref<8x64xi32, #tpu.memory_space<hbm>>
    tpu.enqueue_dma source(%dma_start3A_29 : memref<8x64xi32, #tpu.memory_space<hbm>>) target(%arg12 : memref<8x64xi32, #tpu.memory_space<vmem>>) target_semaphore(%arg27 : memref<!tpu.dma_semaphore, #tpu.memory_space<semaphore_mem>>)
    %dma_wait3A = arith.constant 0 : i32
    %dma_wait3A_30 = arith.constant 0 : i32
    %dma_wait3A_31 = arith.constant 0 : i32
    %dma_wait3A_32 = tpu.memref_slice %arg3[%dma_wait3A, %dma_wait3A_30, %dma_wait3A_31] : memref<32x160x64xi32, #tpu.memory_space<hbm>> -> memref<1x8x64xi32, #tpu.memory_space<hbm>>
    %dma_wait3A_33 = tpu.memref_squeeze %dma_wait3A_32 : memref<1x8x64xi32, #tpu.memory_space<hbm>> -> memref<8x64xi32, #tpu.memory_space<hbm>>
    %dma_wait3A_34 = arith.constant 0 : i32
    %dma_wait3A_35 = arith.constant 0 : i32
    %dma_wait3A_36 = tpu.memref_slice %arg3[%dma_wait3A, %dma_wait3A_34, %dma_wait3A_35] : memref<32x160x64xi32, #tpu.memory_space<hbm>> -> memref<1x8x64xi32, #tpu.memory_space<hbm>>
    %dma_wait3A_37 = tpu.memref_squeeze %dma_wait3A_36 : memref<1x8x64xi32, #tpu.memory_space<hbm>> -> memref<8x64xi32, #tpu.memory_space<hbm>>
    tpu.wait_dma2 semaphore(%arg25 : memref<!tpu.dma_semaphore, #tpu.memory_space<semaphore_mem>>) src(%dma_wait3A_37 : memref<8x64xi32, #tpu.memory_space<hbm>>) dst(%arg10 : memref<8x64xi32, #tpu.memory_space<vmem>>)
    %dma_wait3A_38 = arith.constant 0 : i32
    %dma_wait3A_39 = arith.constant 0 : i32
    %dma_wait3A_40 = arith.constant 0 : i32
    %dma_wait3A_41 = tpu.memref_slice %arg4[%dma_wait3A_38, %dma_wait3A_39, %dma_wait3A_40] : memref<32x160x64xi32, #tpu.memory_space<hbm>> -> memref<1x8x64xi32, #tpu.memory_space<hbm>>
    %dma_wait3A_42 = tpu.memref_squeeze %dma_wait3A_41 : memref<1x8x64xi32, #tpu.memory_space<hbm>> -> memref<8x64xi32, #tpu.memory_space<hbm>>
    %dma_wait3A_43 = arith.constant 0 : i32
    %dma_wait3A_44 = arith.constant 0 : i32
    %dma_wait3A_45 = tpu.memref_slice %arg4[%dma_wait3A_38, %dma_wait3A_43, %dma_wait3A_44] : memref<32x160x64xi32, #tpu.memory_space<hbm>> -> memref<1x8x64xi32, #tpu.memory_space<hbm>>
    %dma_wait3A_46 = tpu.memref_squeeze %dma_wait3A_45 : memref<1x8x64xi32, #tpu.memory_space<hbm>> -> memref<8x64xi32, #tpu.memory_space<hbm>>
    tpu.wait_dma2 semaphore(%arg27 : memref<!tpu.dma_semaphore, #tpu.memory_space<semaphore_mem>>) src(%dma_wait3A_46 : memref<8x64xi32, #tpu.memory_space<hbm>>) dst(%arg12 : memref<8x64xi32, #tpu.memory_space<vmem>>)
    %barrier3A = arith.constant 0 : index
    tpu.barrier barrier_id(%barrier3A)
    %dma_start3A_47 = arith.constant 0 : i32
    %dma_start3A_48 = arith.constant 0 : i32
    %dma_start3A_49 = tpu.memref_slice %arg10[%dma_start3A_47, %dma_start3A_48] : memref<8x64xi32, #tpu.memory_space<vmem>> -> memref<1x64xi32, #tpu.memory_space<vmem>>
    %dma_start3A_50 = tpu.memref_squeeze %dma_start3A_49 : memref<1x64xi32, #tpu.memory_space<vmem>> -> memref<64xi32, #tpu.memory_space<vmem>>
    %dma_start3A_51 = arith.constant 0 : i32
    %dma_start3A_52 = arith.constant 0 : i32
    %dma_start3A_53 = tpu.memref_slice %arg2[%dma_start3A_51, %dma_start3A_52] : memref<10000x128xf32, #tpu.memory_space<hbm>> -> memref<10000x128xf32, #tpu.memory_space<hbm>>
    tpu.enqueue_indirect_dma source(%dma_start3A_53 : memref<10000x128xf32, #tpu.memory_space<hbm>>) target(%arg14 : memref<64x128xf32, #tpu.memory_space<vmem>>) offsets(%dma_start3A_50 : memref<64xi32, #tpu.memory_space<vmem>>) semaphore(%arg21 : memref<!tpu.dma_semaphore, #tpu.memory_space<semaphore_mem>>)
    %dma_start3A_54 = arith.constant 1 : i32
    %dma_start3A_55 = arith.constant 0 : i32
    %dma_start3A_56 = tpu.memref_slice %arg10[%dma_start3A_54, %dma_start3A_55] : memref<8x64xi32, #tpu.memory_space<vmem>> -> memref<1x64xi32, #tpu.memory_space<vmem>>
    %dma_start3A_57 = tpu.memref_squeeze %dma_start3A_56 : memref<1x64xi32, #tpu.memory_space<vmem>> -> memref<64xi32, #tpu.memory_space<vmem>>
    %dma_start3A_58 = arith.constant 0 : i32
    %dma_start3A_59 = arith.constant 0 : i32
    %dma_start3A_60 = tpu.memref_slice %arg2[%dma_start3A_58, %dma_start3A_59] : memref<10000x128xf32, #tpu.memory_space<hbm>> -> memref<10000x128xf32, #tpu.memory_space<hbm>>
    tpu.enqueue_indirect_dma source(%dma_start3A_60 : memref<10000x128xf32, #tpu.memory_space<hbm>>) target(%arg15 : memref<64x128xf32, #tpu.memory_space<vmem>>) offsets(%dma_start3A_57 : memref<64xi32, #tpu.memory_space<vmem>>) semaphore(%arg22 : memref<!tpu.dma_semaphore, #tpu.memory_space<semaphore_mem>>)
    %dma_start3A_61 = arith.constant 2 : i32
    %dma_start3A_62 = arith.constant 0 : i32
    %dma_start3A_63 = tpu.memref_slice %arg10[%dma_start3A_61, %dma_start3A_62] : memref<8x64xi32, #tpu.memory_space<vmem>> -> memref<1x64xi32, #tpu.memory_space<vmem>>
    %dma_start3A_64 = tpu.memref_squeeze %dma_start3A_63 : memref<1x64xi32, #tpu.memory_space<vmem>> -> memref<64xi32, #tpu.memory_space<vmem>>
    %dma_start3A_65 = arith.constant 0 : i32
    %dma_start3A_66 = arith.constant 0 : i32
    %dma_start3A_67 = tpu.memref_slice %arg2[%dma_start3A_65, %dma_start3A_66] : memref<10000x128xf32, #tpu.memory_space<hbm>> -> memref<10000x128xf32, #tpu.memory_space<hbm>>
    tpu.enqueue_indirect_dma source(%dma_start3A_67 : memref<10000x128xf32, #tpu.memory_space<hbm>>) target(%arg16 : memref<64x128xf32, #tpu.memory_space<vmem>>) offsets(%dma_start3A_64 : memref<64xi32, #tpu.memory_space<vmem>>) semaphore(%arg23 : memref<!tpu.dma_semaphore, #tpu.memory_space<semaphore_mem>>)
    %dma_start3A_68 = arith.constant 3 : i32
    %dma_start3A_69 = arith.constant 0 : i32
    %dma_start3A_70 = tpu.memref_slice %arg10[%dma_start3A_68, %dma_start3A_69] : memref<8x64xi32, #tpu.memory_space<vmem>> -> memref<1x64xi32, #tpu.memory_space<vmem>>
    %dma_start3A_71 = tpu.memref_squeeze %dma_start3A_70 : memref<1x64xi32, #tpu.memory_space<vmem>> -> memref<64xi32, #tpu.memory_space<vmem>>
    %dma_start3A_72 = arith.constant 0 : i32
    %dma_start3A_73 = arith.constant 0 : i32
    %dma_start3A_74 = tpu.memref_slice %arg2[%dma_start3A_72, %dma_start3A_73] : memref<10000x128xf32, #tpu.memory_space<hbm>> -> memref<10000x128xf32, #tpu.memory_space<hbm>>
    tpu.enqueue_indirect_dma source(%dma_start3A_74 : memref<10000x128xf32, #tpu.memory_space<hbm>>) target(%arg17 : memref<64x128xf32, #tpu.memory_space<vmem>>) offsets(%dma_start3A_71 : memref<64xi32, #tpu.memory_space<vmem>>) semaphore(%arg24 : memref<!tpu.dma_semaphore, #tpu.memory_space<semaphore_mem>>)
    %scan3A = arith.constant 0 : i32
    %scan3A_75 = arith.constant 10 : i32
    %scan3A_76 = arith.addi %scan3A, %scan3A_75 : i32
    %scan3A_77 = arith.constant 1 : i32
    scf.for %scan3A_133 = %scan3A to %scan3A_76 step %scan3A_77  : i32 {
      %mul3A_134 = arith.constant 1 : i32
      %mul3A_135 = arith.muli %scan3A_133, %mul3A_134 : i32
      %add3A_136 = arith.constant 0 : i32
      %add3A_137 = arith.addi %add3A_136, %mul3A_135 : i32
      %mul3A_138 = arith.constant 2 : i32
      %mul3A_139 = arith.muli %mul3A_138, %add3A_137 : i32
      %gt3A = arith.constant 0 : i32
      %gt3A_140 = arith.cmpi sgt, %mul3A_139, %gt3A : i32
      %convert_element_type3A_141 = arith.extui %gt3A_140 : i1 to i32
      %cond3A_142 = arith.constant 0 : i32
      %cond3A_143 = arith.cmpi ne, %convert_element_type3A_141, %cond3A_142 : i32
      scf.if %cond3A_143 {
        %dma_wait3A_548 = arith.constant 0 : i32
        %dma_wait3A_549 = arith.constant 0 : i32
        %dma_wait3A_550 = tpu.memref_slice %arg12[%dma_wait3A_548, %dma_wait3A_549] : memref<8x64xi32, #tpu.memory_space<vmem>> -> memref<1x64xi32, #tpu.memory_space<vmem>>
        %dma_wait3A_551 = tpu.memref_squeeze %dma_wait3A_550 : memref<1x64xi32, #tpu.memory_space<vmem>> -> memref<64xi32, #tpu.memory_space<vmem>>
        %dma_wait3A_552 = arith.constant 0 : i32
        %dma_wait3A_553 = tpu.memref_slice %arg20[%dma_wait3A_552] : memref<10240xf32, #tpu.memory_space<vmem_shared>> -> memref<10240xf32, #tpu.memory_space<vmem_shared>>
        tpu.wait_indirect_dma semaphore(%arg29 : memref<!tpu.dma_semaphore, #tpu.memory_space<semaphore_mem>>) src(%arg18 : memref<64xf32, #tpu.memory_space<vmem>>) dst(%dma_wait3A_553 : memref<10240xf32, #tpu.memory_space<vmem_shared>>)
        %dma_wait3A_554 = arith.constant 0 : i32
        %dma_wait3A_555 = arith.constant 0 : i32
        %dma_wait3A_556 = tpu.memref_slice %arg12[%dma_wait3A_554, %dma_wait3A_555] : memref<8x64xi32, #tpu.memory_space<vmem>> -> memref<1x64xi32, #tpu.memory_space<vmem>>
        %dma_wait3A_557 = tpu.memref_squeeze %dma_wait3A_556 : memref<1x64xi32, #tpu.memory_space<vmem>> -> memref<64xi32, #tpu.memory_space<vmem>>
        %dma_wait3A_558 = arith.constant 0 : i32
        %dma_wait3A_559 = tpu.memref_slice %arg20[%dma_wait3A_558] : memref<10240xf32, #tpu.memory_space<vmem_shared>> -> memref<10240xf32, #tpu.memory_space<vmem_shared>>
        tpu.wait_indirect_dma semaphore(%arg29 : memref<!tpu.dma_semaphore, #tpu.memory_space<semaphore_mem>>) src(%arg18 : memref<64xf32, #tpu.memory_space<vmem>>) dst(%dma_wait3A_559 : memref<10240xf32, #tpu.memory_space<vmem_shared>>)
        %dma_wait3A_560 = arith.constant 0 : i32
        %dma_wait3A_561 = arith.constant 0 : i32
        %dma_wait3A_562 = tpu.memref_slice %arg12[%dma_wait3A_560, %dma_wait3A_561] : memref<8x64xi32, #tpu.memory_space<vmem>> -> memref<1x64xi32, #tpu.memory_space<vmem>>
        %dma_wait3A_563 = tpu.memref_squeeze %dma_wait3A_562 : memref<1x64xi32, #tpu.memory_space<vmem>> -> memref<64xi32, #tpu.memory_space<vmem>>
        %dma_wait3A_564 = arith.constant 0 : i32
        %dma_wait3A_565 = tpu.memref_slice %arg20[%dma_wait3A_564] : memref<10240xf32, #tpu.memory_space<vmem_shared>> -> memref<10240xf32, #tpu.memory_space<vmem_shared>>
        tpu.wait_indirect_dma semaphore(%arg29 : memref<!tpu.dma_semaphore, #tpu.memory_space<semaphore_mem>>) src(%arg18 : memref<64xf32, #tpu.memory_space<vmem>>) dst(%dma_wait3A_565 : memref<10240xf32, #tpu.memory_space<vmem_shared>>)
        %dma_wait3A_566 = arith.constant 0 : i32
        %dma_wait3A_567 = arith.constant 0 : i32
        %dma_wait3A_568 = tpu.memref_slice %arg12[%dma_wait3A_566, %dma_wait3A_567] : memref<8x64xi32, #tpu.memory_space<vmem>> -> memref<1x64xi32, #tpu.memory_space<vmem>>
        %dma_wait3A_569 = tpu.memref_squeeze %dma_wait3A_568 : memref<1x64xi32, #tpu.memory_space<vmem>> -> memref<64xi32, #tpu.memory_space<vmem>>
        %dma_wait3A_570 = arith.constant 0 : i32
        %dma_wait3A_571 = tpu.memref_slice %arg20[%dma_wait3A_570] : memref<10240xf32, #tpu.memory_space<vmem_shared>> -> memref<10240xf32, #tpu.memory_space<vmem_shared>>
        tpu.wait_indirect_dma semaphore(%arg29 : memref<!tpu.dma_semaphore, #tpu.memory_space<semaphore_mem>>) src(%arg18 : memref<64xf32, #tpu.memory_space<vmem>>) dst(%dma_wait3A_571 : memref<10240xf32, #tpu.memory_space<vmem_shared>>)
        %dma_wait3A_572 = arith.constant 0 : i32
        %dma_wait3A_573 = arith.constant 0 : i32
        %dma_wait3A_574 = tpu.memref_slice %arg12[%dma_wait3A_572, %dma_wait3A_573] : memref<8x64xi32, #tpu.memory_space<vmem>> -> memref<1x64xi32, #tpu.memory_space<vmem>>
        %dma_wait3A_575 = tpu.memref_squeeze %dma_wait3A_574 : memref<1x64xi32, #tpu.memory_space<vmem>> -> memref<64xi32, #tpu.memory_space<vmem>>
        %dma_wait3A_576 = arith.constant 0 : i32
        %dma_wait3A_577 = tpu.memref_slice %arg20[%dma_wait3A_576] : memref<10240xf32, #tpu.memory_space<vmem_shared>> -> memref<10240xf32, #tpu.memory_space<vmem_shared>>
        tpu.wait_indirect_dma semaphore(%arg29 : memref<!tpu.dma_semaphore, #tpu.memory_space<semaphore_mem>>) src(%arg18 : memref<64xf32, #tpu.memory_space<vmem>>) dst(%dma_wait3A_577 : memref<10240xf32, #tpu.memory_space<vmem_shared>>)
        %dma_wait3A_578 = arith.constant 0 : i32
        %dma_wait3A_579 = arith.constant 0 : i32
        %dma_wait3A_580 = tpu.memref_slice %arg12[%dma_wait3A_578, %dma_wait3A_579] : memref<8x64xi32, #tpu.memory_space<vmem>> -> memref<1x64xi32, #tpu.memory_space<vmem>>
        %dma_wait3A_581 = tpu.memref_squeeze %dma_wait3A_580 : memref<1x64xi32, #tpu.memory_space<vmem>> -> memref<64xi32, #tpu.memory_space<vmem>>
        %dma_wait3A_582 = arith.constant 0 : i32
        %dma_wait3A_583 = tpu.memref_slice %arg20[%dma_wait3A_582] : memref<10240xf32, #tpu.memory_space<vmem_shared>> -> memref<10240xf32, #tpu.memory_space<vmem_shared>>
        tpu.wait_indirect_dma semaphore(%arg29 : memref<!tpu.dma_semaphore, #tpu.memory_space<semaphore_mem>>) src(%arg18 : memref<64xf32, #tpu.memory_space<vmem>>) dst(%dma_wait3A_583 : memref<10240xf32, #tpu.memory_space<vmem_shared>>)
        %dma_wait3A_584 = arith.constant 0 : i32
        %dma_wait3A_585 = arith.constant 0 : i32
        %dma_wait3A_586 = tpu.memref_slice %arg12[%dma_wait3A_584, %dma_wait3A_585] : memref<8x64xi32, #tpu.memory_space<vmem>> -> memref<1x64xi32, #tpu.memory_space<vmem>>
        %dma_wait3A_587 = tpu.memref_squeeze %dma_wait3A_586 : memref<1x64xi32, #tpu.memory_space<vmem>> -> memref<64xi32, #tpu.memory_space<vmem>>
        %dma_wait3A_588 = arith.constant 0 : i32
        %dma_wait3A_589 = tpu.memref_slice %arg20[%dma_wait3A_588] : memref<10240xf32, #tpu.memory_space<vmem_shared>> -> memref<10240xf32, #tpu.memory_space<vmem_shared>>
        tpu.wait_indirect_dma semaphore(%arg29 : memref<!tpu.dma_semaphore, #tpu.memory_space<semaphore_mem>>) src(%arg18 : memref<64xf32, #tpu.memory_space<vmem>>) dst(%dma_wait3A_589 : memref<10240xf32, #tpu.memory_space<vmem_shared>>)
        %dma_wait3A_590 = arith.constant 0 : i32
        %dma_wait3A_591 = arith.constant 0 : i32
        %dma_wait3A_592 = tpu.memref_slice %arg12[%dma_wait3A_590, %dma_wait3A_591] : memref<8x64xi32, #tpu.memory_space<vmem>> -> memref<1x64xi32, #tpu.memory_space<vmem>>
        %dma_wait3A_593 = tpu.memref_squeeze %dma_wait3A_592 : memref<1x64xi32, #tpu.memory_space<vmem>> -> memref<64xi32, #tpu.memory_space<vmem>>
        %dma_wait3A_594 = arith.constant 0 : i32
        %dma_wait3A_595 = tpu.memref_slice %arg20[%dma_wait3A_594] : memref<10240xf32, #tpu.memory_space<vmem_shared>> -> memref<10240xf32, #tpu.memory_space<vmem_shared>>
        tpu.wait_indirect_dma semaphore(%arg29 : memref<!tpu.dma_semaphore, #tpu.memory_space<semaphore_mem>>) src(%arg18 : memref<64xf32, #tpu.memory_space<vmem>>) dst(%dma_wait3A_595 : memref<10240xf32, #tpu.memory_space<vmem_shared>>)
      } else {
      }
      %add3A_144 = arith.constant 1 : i32
      %add3A_145 = arith.addi %mul3A_139, %add3A_144 : i32
      %min3A = arith.constant 19 : i32
      %min3A_146 = arith.minsi %add3A_145, %min3A : i32
      %mul3A_147 = arith.constant 8 : i32
      %mul3A_148 = arith.muli %min3A_146, %mul3A_147 : i32
      %dma_start3A_149 = arith.constant 0 : i32
      %dma_start3A_150 = tpu.memref_slice %arg3[%add3A, %mul3A_148, %dma_start3A_149] : memref<32x160x64xi32, #tpu.memory_space<hbm>> -> memref<1x8x64xi32, #tpu.memory_space<hbm>>
      %dma_start3A_151 = tpu.memref_squeeze %dma_start3A_150 : memref<1x8x64xi32, #tpu.memory_space<hbm>> -> memref<8x64xi32, #tpu.memory_space<hbm>>
      %dma_start3A_152 = arith.constant 0 : i32
      %dma_start3A_153 = tpu.memref_slice %arg3[%add3A, %mul3A_148, %dma_start3A_152] : memref<32x160x64xi32, #tpu.memory_space<hbm>> -> memref<1x8x64xi32, #tpu.memory_space<hbm>>
      %dma_start3A_154 = tpu.memref_squeeze %dma_start3A_153 : memref<1x8x64xi32, #tpu.memory_space<hbm>> -> memref<8x64xi32, #tpu.memory_space<hbm>>
      tpu.enqueue_dma source(%dma_start3A_154 : memref<8x64xi32, #tpu.memory_space<hbm>>) target(%arg11 : memref<8x64xi32, #tpu.memory_space<vmem>>) target_semaphore(%arg26 : memref<!tpu.dma_semaphore, #tpu.memory_space<semaphore_mem>>)
      %mul3A_155 = arith.constant 8 : i32
      %mul3A_156 = arith.muli %min3A_146, %mul3A_155 : i32
      %dma_start3A_157 = arith.constant 0 : i32
      %dma_start3A_158 = tpu.memref_slice %arg4[%add3A, %mul3A_156, %dma_start3A_157] : memref<32x160x64xi32, #tpu.memory_space<hbm>> -> memref<1x8x64xi32, #tpu.memory_space<hbm>>
      %dma_start3A_159 = tpu.memref_squeeze %dma_start3A_158 : memref<1x8x64xi32, #tpu.memory_space<hbm>> -> memref<8x64xi32, #tpu.memory_space<hbm>>
      %dma_start3A_160 = arith.constant 0 : i32
      %dma_start3A_161 = tpu.memref_slice %arg4[%add3A, %mul3A_156, %dma_start3A_160] : memref<32x160x64xi32, #tpu.memory_space<hbm>> -> memref<1x8x64xi32, #tpu.memory_space<hbm>>
      %dma_start3A_162 = tpu.memref_squeeze %dma_start3A_161 : memref<1x8x64xi32, #tpu.memory_space<hbm>> -> memref<8x64xi32, #tpu.memory_space<hbm>>
      tpu.enqueue_dma source(%dma_start3A_162 : memref<8x64xi32, #tpu.memory_space<hbm>>) target(%arg13 : memref<8x64xi32, #tpu.memory_space<vmem>>) target_semaphore(%arg28 : memref<!tpu.dma_semaphore, #tpu.memory_space<semaphore_mem>>)
      %dma_wait3A_163 = arith.constant 0 : i32
      %dma_wait3A_164 = arith.constant 0 : i32
      %dma_wait3A_165 = tpu.memref_slice %arg10[%dma_wait3A_163, %dma_wait3A_164] : memref<8x64xi32, #tpu.memory_space<vmem>> -> memref<1x64xi32, #tpu.memory_space<vmem>>
      %dma_wait3A_166 = tpu.memref_squeeze %dma_wait3A_165 : memref<1x64xi32, #tpu.memory_space<vmem>> -> memref<64xi32, #tpu.memory_space<vmem>>
      %dma_wait3A_167 = arith.constant 0 : i32
      %dma_wait3A_168 = arith.constant 0 : i32
      %dma_wait3A_169 = tpu.memref_slice %arg2[%dma_wait3A_167, %dma_wait3A_168] : memref<10000x128xf32, #tpu.memory_space<hbm>> -> memref<10000x128xf32, #tpu.memory_space<hbm>>
      tpu.wait_indirect_dma semaphore(%arg21 : memref<!tpu.dma_semaphore, #tpu.memory_space<semaphore_mem>>) src(%dma_wait3A_169 : memref<10000x128xf32, #tpu.memory_space<hbm>>) dst(%arg14 : memref<64x128xf32, #tpu.memory_space<vmem>>)
      %run_scoped3A = arith.constant 0 : i32
      "tpu.region"() ({
        %run_scoped3A_548 = tpu.sem_alloc : memref<!tpu.dma_semaphore, #tpu.memory_space<semaphore_mem>>
        %dma_start3A_549 = arith.constant 0 : i32
        %dma_start3A_550 = tpu.memref_slice %arg12[%run_scoped3A, %dma_start3A_549] : memref<8x64xi32, #tpu.memory_space<vmem>> -> memref<1x64xi32, #tpu.memory_space<vmem>>
        %dma_start3A_551 = tpu.memref_squeeze %dma_start3A_550 : memref<1x64xi32, #tpu.memory_space<vmem>> -> memref<64xi32, #tpu.memory_space<vmem>>
        %dma_start3A_552 = arith.constant 0 : i32
        %dma_start3A_553 = arith.constant 0 : i32
        %dma_start3A_554 = tpu.memref_slice %arg19[%dma_start3A_552, %dma_start3A_553] : memref<10240x128xf32, #tpu.memory_space<vmem_shared>> -> memref<10240x128xf32, #tpu.memory_space<vmem_shared>>
        tpu.enqueue_indirect_dma source(%arg14 : memref<64x128xf32, #tpu.memory_space<vmem>>) target(%dma_start3A_554 : memref<10240x128xf32, #tpu.memory_space<vmem_shared>>) offsets(%dma_start3A_551 : memref<64xi32, #tpu.memory_space<vmem>>) semaphore(%run_scoped3A_548 : memref<!tpu.dma_semaphore, #tpu.memory_space<semaphore_mem>>) {add = true}
        %dma_wait3A_555 = arith.constant 0 : i32
        %dma_wait3A_556 = tpu.memref_slice %arg12[%run_scoped3A, %dma_wait3A_555] : memref<8x64xi32, #tpu.memory_space<vmem>> -> memref<1x64xi32, #tpu.memory_space<vmem>>
        %dma_wait3A_557 = tpu.memref_squeeze %dma_wait3A_556 : memref<1x64xi32, #tpu.memory_space<vmem>> -> memref<64xi32, #tpu.memory_space<vmem>>
        %dma_wait3A_558 = arith.constant 0 : i32
        %dma_wait3A_559 = arith.constant 0 : i32
        %dma_wait3A_560 = tpu.memref_slice %arg19[%dma_wait3A_558, %dma_wait3A_559] : memref<10240x128xf32, #tpu.memory_space<vmem_shared>> -> memref<10240x128xf32, #tpu.memory_space<vmem_shared>>
        tpu.wait_indirect_dma semaphore(%run_scoped3A_548 : memref<!tpu.dma_semaphore, #tpu.memory_space<semaphore_mem>>) src(%arg14 : memref<64x128xf32, #tpu.memory_space<vmem>>) dst(%dma_wait3A_560 : memref<10240x128xf32, #tpu.memory_space<vmem_shared>>)
        tpu.yield
      }) : () -> ()
      %dma_start3A_170 = arith.constant 0 : i32
      %dma_start3A_171 = arith.constant 0 : i32
      %dma_start3A_172 = tpu.memref_slice %arg12[%dma_start3A_170, %dma_start3A_171] : memref<8x64xi32, #tpu.memory_space<vmem>> -> memref<1x64xi32, #tpu.memory_space<vmem>>
      %dma_start3A_173 = tpu.memref_squeeze %dma_start3A_172 : memref<1x64xi32, #tpu.memory_space<vmem>> -> memref<64xi32, #tpu.memory_space<vmem>>
      %dma_start3A_174 = arith.constant 0 : i32
      %dma_start3A_175 = tpu.memref_slice %arg20[%dma_start3A_174] : memref<10240xf32, #tpu.memory_space<vmem_shared>> -> memref<10240xf32, #tpu.memory_space<vmem_shared>>
      tpu.enqueue_indirect_dma source(%arg18 : memref<64xf32, #tpu.memory_space<vmem>>) target(%dma_start3A_175 : memref<10240xf32, #tpu.memory_space<vmem_shared>>) offsets(%dma_start3A_173 : memref<64xi32, #tpu.memory_space<vmem>>) semaphore(%arg29 : memref<!tpu.dma_semaphore, #tpu.memory_space<semaphore_mem>>) {add = true}
      %dma_start3A_176 = arith.constant 4 : i32
      %dma_start3A_177 = arith.constant 0 : i32
      %dma_start3A_178 = tpu.memref_slice %arg10[%dma_start3A_176, %dma_start3A_177] : memref<8x64xi32, #tpu.memory_space<vmem>> -> memref<1x64xi32, #tpu.memory_space<vmem>>
      %dma_start3A_179 = tpu.memref_squeeze %dma_start3A_178 : memref<1x64xi32, #tpu.memory_space<vmem>> -> memref<64xi32, #tpu.memory_space<vmem>>
      %dma_start3A_180 = arith.constant 0 : i32
      %dma_start3A_181 = arith.constant 0 : i32
      %dma_start3A_182 = tpu.memref_slice %arg2[%dma_start3A_180, %dma_start3A_181] : memref<10000x128xf32, #tpu.memory_space<hbm>> -> memref<10000x128xf32, #tpu.memory_space<hbm>>
      tpu.enqueue_indirect_dma source(%dma_start3A_182 : memref<10000x128xf32, #tpu.memory_space<hbm>>) target(%arg14 : memref<64x128xf32, #tpu.memory_space<vmem>>) offsets(%dma_start3A_179 : memref<64xi32, #tpu.memory_space<vmem>>) semaphore(%arg21 : memref<!tpu.dma_semaphore, #tpu.memory_space<semaphore_mem>>)
      %dma_wait3A_183 = arith.constant 0 : i32
      %dma_wait3A_184 = arith.constant 0 : i32
      %dma_wait3A_185 = tpu.memref_slice %arg10[%dma_wait3A_183, %dma_wait3A_184] : memref<8x64xi32, #tpu.memory_space<vmem>> -> memref<1x64xi32, #tpu.memory_space<vmem>>
      %dma_wait3A_186 = tpu.memref_squeeze %dma_wait3A_185 : memref<1x64xi32, #tpu.memory_space<vmem>> -> memref<64xi32, #tpu.memory_space<vmem>>
      %dma_wait3A_187 = arith.constant 0 : i32
      %dma_wait3A_188 = arith.constant 0 : i32
      %dma_wait3A_189 = tpu.memref_slice %arg2[%dma_wait3A_187, %dma_wait3A_188] : memref<10000x128xf32, #tpu.memory_space<hbm>> -> memref<10000x128xf32, #tpu.memory_space<hbm>>
      tpu.wait_indirect_dma semaphore(%arg22 : memref<!tpu.dma_semaphore, #tpu.memory_space<semaphore_mem>>) src(%dma_wait3A_189 : memref<10000x128xf32, #tpu.memory_space<hbm>>) dst(%arg15 : memref<64x128xf32, #tpu.memory_space<vmem>>)
      %run_scoped3A_190 = arith.constant 1 : i32
      "tpu.region"() ({
        %run_scoped3A_548 = tpu.sem_alloc : memref<!tpu.dma_semaphore, #tpu.memory_space<semaphore_mem>>
        %dma_start3A_549 = arith.constant 0 : i32
        %dma_start3A_550 = tpu.memref_slice %arg12[%run_scoped3A_190, %dma_start3A_549] : memref<8x64xi32, #tpu.memory_space<vmem>> -> memref<1x64xi32, #tpu.memory_space<vmem>>
        %dma_start3A_551 = tpu.memref_squeeze %dma_start3A_550 : memref<1x64xi32, #tpu.memory_space<vmem>> -> memref<64xi32, #tpu.memory_space<vmem>>
        %dma_start3A_552 = arith.constant 0 : i32
        %dma_start3A_553 = arith.constant 0 : i32
        %dma_start3A_554 = tpu.memref_slice %arg19[%dma_start3A_552, %dma_start3A_553] : memref<10240x128xf32, #tpu.memory_space<vmem_shared>> -> memref<10240x128xf32, #tpu.memory_space<vmem_shared>>
        tpu.enqueue_indirect_dma source(%arg15 : memref<64x128xf32, #tpu.memory_space<vmem>>) target(%dma_start3A_554 : memref<10240x128xf32, #tpu.memory_space<vmem_shared>>) offsets(%dma_start3A_551 : memref<64xi32, #tpu.memory_space<vmem>>) semaphore(%run_scoped3A_548 : memref<!tpu.dma_semaphore, #tpu.memory_space<semaphore_mem>>) {add = true}
        %dma_wait3A_555 = arith.constant 0 : i32
        %dma_wait3A_556 = tpu.memref_slice %arg12[%run_scoped3A_190, %dma_wait3A_555] : memref<8x64xi32, #tpu.memory_space<vmem>> -> memref<1x64xi32, #tpu.memory_space<vmem>>
        %dma_wait3A_557 = tpu.memref_squeeze %dma_wait3A_556 : memref<1x64xi32, #tpu.memory_space<vmem>> -> memref<64xi32, #tpu.memory_space<vmem>>
        %dma_wait3A_558 = arith.constant 0 : i32
        %dma_wait3A_559 = arith.constant 0 : i32
        %dma_wait3A_560 = tpu.memref_slice %arg19[%dma_wait3A_558, %dma_wait3A_559] : memref<10240x128xf32, #tpu.memory_space<vmem_shared>> -> memref<10240x128xf32, #tpu.memory_space<vmem_shared>>
        tpu.wait_indirect_dma semaphore(%run_scoped3A_548 : memref<!tpu.dma_semaphore, #tpu.memory_space<semaphore_mem>>) src(%arg15 : memref<64x128xf32, #tpu.memory_space<vmem>>) dst(%dma_wait3A_560 : memref<10240x128xf32, #tpu.memory_space<vmem_shared>>)
        tpu.yield
      }) : () -> ()
      %dma_start3A_191 = arith.constant 1 : i32
      %dma_start3A_192 = arith.constant 0 : i32
      %dma_start3A_193 = tpu.memref_slice %arg12[%dma_start3A_191, %dma_start3A_192] : memref<8x64xi32, #tpu.memory_space<vmem>> -> memref<1x64xi32, #tpu.memory_space<vmem>>
      %dma_start3A_194 = tpu.memref_squeeze %dma_start3A_193 : memref<1x64xi32, #tpu.memory_space<vmem>> -> memref<64xi32, #tpu.memory_space<vmem>>
      %dma_start3A_195 = arith.constant 0 : i32
      %dma_start3A_196 = tpu.memref_slice %arg20[%dma_start3A_195] : memref<10240xf32, #tpu.memory_space<vmem_shared>> -> memref<10240xf32, #tpu.memory_space<vmem_shared>>
      tpu.enqueue_indirect_dma source(%arg18 : memref<64xf32, #tpu.memory_space<vmem>>) target(%dma_start3A_196 : memref<10240xf32, #tpu.memory_space<vmem_shared>>) offsets(%dma_start3A_194 : memref<64xi32, #tpu.memory_space<vmem>>) semaphore(%arg29 : memref<!tpu.dma_semaphore, #tpu.memory_space<semaphore_mem>>) {add = true}
      %dma_start3A_197 = arith.constant 5 : i32
      %dma_start3A_198 = arith.constant 0 : i32
      %dma_start3A_199 = tpu.memref_slice %arg10[%dma_start3A_197, %dma_start3A_198] : memref<8x64xi32, #tpu.memory_space<vmem>> -> memref<1x64xi32, #tpu.memory_space<vmem>>
      %dma_start3A_200 = tpu.memref_squeeze %dma_start3A_199 : memref<1x64xi32, #tpu.memory_space<vmem>> -> memref<64xi32, #tpu.memory_space<vmem>>
      %dma_start3A_201 = arith.constant 0 : i32
      %dma_start3A_202 = arith.constant 0 : i32
      %dma_start3A_203 = tpu.memref_slice %arg2[%dma_start3A_201, %dma_start3A_202] : memref<10000x128xf32, #tpu.memory_space<hbm>> -> memref<10000x128xf32, #tpu.memory_space<hbm>>
      tpu.enqueue_indirect_dma source(%dma_start3A_203 : memref<10000x128xf32, #tpu.memory_space<hbm>>) target(%arg15 : memref<64x128xf32, #tpu.memory_space<vmem>>) offsets(%dma_start3A_200 : memref<64xi32, #tpu.memory_space<vmem>>) semaphore(%arg22 : memref<!tpu.dma_semaphore, #tpu.memory_space<semaphore_mem>>)
      %dma_wait3A_204 = arith.constant 0 : i32
      %dma_wait3A_205 = arith.constant 0 : i32
      %dma_wait3A_206 = tpu.memref_slice %arg10[%dma_wait3A_204, %dma_wait3A_205] : memref<8x64xi32, #tpu.memory_space<vmem>> -> memref<1x64xi32, #tpu.memory_space<vmem>>
      %dma_wait3A_207 = tpu.memref_squeeze %dma_wait3A_206 : memref<1x64xi32, #tpu.memory_space<vmem>> -> memref<64xi32, #tpu.memory_space<vmem>>
      %dma_wait3A_208 = arith.constant 0 : i32
      %dma_wait3A_209 = arith.constant 0 : i32
      %dma_wait3A_210 = tpu.memref_slice %arg2[%dma_wait3A_208, %dma_wait3A_209] : memref<10000x128xf32, #tpu.memory_space<hbm>> -> memref<10000x128xf32, #tpu.memory_space<hbm>>
      tpu.wait_indirect_dma semaphore(%arg23 : memref<!tpu.dma_semaphore, #tpu.memory_space<semaphore_mem>>) src(%dma_wait3A_210 : memref<10000x128xf32, #tpu.memory_space<hbm>>) dst(%arg16 : memref<64x128xf32, #tpu.memory_space<vmem>>)
      %run_scoped3A_211 = arith.constant 2 : i32
      "tpu.region"() ({
        %run_scoped3A_548 = tpu.sem_alloc : memref<!tpu.dma_semaphore, #tpu.memory_space<semaphore_mem>>
        %dma_start3A_549 = arith.constant 0 : i32
        %dma_start3A_550 = tpu.memref_slice %arg12[%run_scoped3A_211, %dma_start3A_549] : memref<8x64xi32, #tpu.memory_space<vmem>> -> memref<1x64xi32, #tpu.memory_space<vmem>>
        %dma_start3A_551 = tpu.memref_squeeze %dma_start3A_550 : memref<1x64xi32, #tpu.memory_space<vmem>> -> memref<64xi32, #tpu.memory_space<vmem>>
        %dma_start3A_552 = arith.constant 0 : i32
        %dma_start3A_553 = arith.constant 0 : i32
        %dma_start3A_554 = tpu.memref_slice %arg19[%dma_start3A_552, %dma_start3A_553] : memref<10240x128xf32, #tpu.memory_space<vmem_shared>> -> memref<10240x128xf32, #tpu.memory_space<vmem_shared>>
        tpu.enqueue_indirect_dma source(%arg16 : memref<64x128xf32, #tpu.memory_space<vmem>>) target(%dma_start3A_554 : memref<10240x128xf32, #tpu.memory_space<vmem_shared>>) offsets(%dma_start3A_551 : memref<64xi32, #tpu.memory_space<vmem>>) semaphore(%run_scoped3A_548 : memref<!tpu.dma_semaphore, #tpu.memory_space<semaphore_mem>>) {add = true}
        %dma_wait3A_555 = arith.constant 0 : i32
        %dma_wait3A_556 = tpu.memref_slice %arg12[%run_scoped3A_211, %dma_wait3A_555] : memref<8x64xi32, #tpu.memory_space<vmem>> -> memref<1x64xi32, #tpu.memory_space<vmem>>
        %dma_wait3A_557 = tpu.memref_squeeze %dma_wait3A_556 : memref<1x64xi32, #tpu.memory_space<vmem>> -> memref<64xi32, #tpu.memory_space<vmem>>
        %dma_wait3A_558 = arith.constant 0 : i32
        %dma_wait3A_559 = arith.constant 0 : i32
        %dma_wait3A_560 = tpu.memref_slice %arg19[%dma_wait3A_558, %dma_wait3A_559] : memref<10240x128xf32, #tpu.memory_space<vmem_shared>> -> memref<10240x128xf32, #tpu.memory_space<vmem_shared>>
        tpu.wait_indirect_dma semaphore(%run_scoped3A_548 : memref<!tpu.dma_semaphore, #tpu.memory_space<semaphore_mem>>) src(%arg16 : memref<64x128xf32, #tpu.memory_space<vmem>>) dst(%dma_wait3A_560 : memref<10240x128xf32, #tpu.memory_space<vmem_shared>>)
        tpu.yield
      }) : () -> ()
      %dma_start3A_212 = arith.constant 2 : i32
      %dma_start3A_213 = arith.constant 0 : i32
      %dma_start3A_214 = tpu.memref_slice %arg12[%dma_start3A_212, %dma_start3A_213] : memref<8x64xi32, #tpu.memory_space<vmem>> -> memref<1x64xi32, #tpu.memory_space<vmem>>
      %dma_start3A_215 = tpu.memref_squeeze %dma_start3A_214 : memref<1x64xi32, #tpu.memory_space<vmem>> -> memref<64xi32, #tpu.memory_space<vmem>>
      %dma_start3A_216 = arith.constant 0 : i32
      %dma_start3A_217 = tpu.memref_slice %arg20[%dma_start3A_216] : memref<10240xf32, #tpu.memory_space<vmem_shared>> -> memref<10240xf32, #tpu.memory_space<vmem_shared>>
      tpu.enqueue_indirect_dma source(%arg18 : memref<64xf32, #tpu.memory_space<vmem>>) target(%dma_start3A_217 : memref<10240xf32, #tpu.memory_space<vmem_shared>>) offsets(%dma_start3A_215 : memref<64xi32, #tpu.memory_space<vmem>>) semaphore(%arg29 : memref<!tpu.dma_semaphore, #tpu.memory_space<semaphore_mem>>) {add = true}
      %dma_start3A_218 = arith.constant 6 : i32
      %dma_start3A_219 = arith.constant 0 : i32
      %dma_start3A_220 = tpu.memref_slice %arg10[%dma_start3A_218, %dma_start3A_219] : memref<8x64xi32, #tpu.memory_space<vmem>> -> memref<1x64xi32, #tpu.memory_space<vmem>>
      %dma_start3A_221 = tpu.memref_squeeze %dma_start3A_220 : memref<1x64xi32, #tpu.memory_space<vmem>> -> memref<64xi32, #tpu.memory_space<vmem>>
      %dma_start3A_222 = arith.constant 0 : i32
      %dma_start3A_223 = arith.constant 0 : i32
      %dma_start3A_224 = tpu.memref_slice %arg2[%dma_start3A_222, %dma_start3A_223] : memref<10000x128xf32, #tpu.memory_space<hbm>> -> memref<10000x128xf32, #tpu.memory_space<hbm>>
      tpu.enqueue_indirect_dma source(%dma_start3A_224 : memref<10000x128xf32, #tpu.memory_space<hbm>>) target(%arg16 : memref<64x128xf32, #tpu.memory_space<vmem>>) offsets(%dma_start3A_221 : memref<64xi32, #tpu.memory_space<vmem>>) semaphore(%arg23 : memref<!tpu.dma_semaphore, #tpu.memory_space<semaphore_mem>>)
      %dma_wait3A_225 = arith.constant 0 : i32
      %dma_wait3A_226 = arith.constant 0 : i32
      %dma_wait3A_227 = tpu.memref_slice %arg10[%dma_wait3A_225, %dma_wait3A_226] : memref<8x64xi32, #tpu.memory_space<vmem>> -> memref<1x64xi32, #tpu.memory_space<vmem>>
      %dma_wait3A_228 = tpu.memref_squeeze %dma_wait3A_227 : memref<1x64xi32, #tpu.memory_space<vmem>> -> memref<64xi32, #tpu.memory_space<vmem>>
      %dma_wait3A_229 = arith.constant 0 : i32
      %dma_wait3A_230 = arith.constant 0 : i32
      %dma_wait3A_231 = tpu.memref_slice %arg2[%dma_wait3A_229, %dma_wait3A_230] : memref<10000x128xf32, #tpu.memory_space<hbm>> -> memref<10000x128xf32, #tpu.memory_space<hbm>>
      tpu.wait_indirect_dma semaphore(%arg24 : memref<!tpu.dma_semaphore, #tpu.memory_space<semaphore_mem>>) src(%dma_wait3A_231 : memref<10000x128xf32, #tpu.memory_space<hbm>>) dst(%arg17 : memref<64x128xf32, #tpu.memory_space<vmem>>)
      %run_scoped3A_232 = arith.constant 3 : i32
      "tpu.region"() ({
        %run_scoped3A_548 = tpu.sem_alloc : memref<!tpu.dma_semaphore, #tpu.memory_space<semaphore_mem>>
        %dma_start3A_549 = arith.constant 0 : i32
        %dma_start3A_550 = tpu.memref_slice %arg12[%run_scoped3A_232, %dma_start3A_549] : memref<8x64xi32, #tpu.memory_space<vmem>> -> memref<1x64xi32, #tpu.memory_space<vmem>>
        %dma_start3A_551 = tpu.memref_squeeze %dma_start3A_550 : memref<1x64xi32, #tpu.memory_space<vmem>> -> memref<64xi32, #tpu.memory_space<vmem>>
        %dma_start3A_552 = arith.constant 0 : i32
        %dma_start3A_553 = arith.constant 0 : i32
        %dma_start3A_554 = tpu.memref_slice %arg19[%dma_start3A_552, %dma_start3A_553] : memref<10240x128xf32, #tpu.memory_space<vmem_shared>> -> memref<10240x128xf32, #tpu.memory_space<vmem_shared>>
        tpu.enqueue_indirect_dma source(%arg17 : memref<64x128xf32, #tpu.memory_space<vmem>>) target(%dma_start3A_554 : memref<10240x128xf32, #tpu.memory_space<vmem_shared>>) offsets(%dma_start3A_551 : memref<64xi32, #tpu.memory_space<vmem>>) semaphore(%run_scoped3A_548 : memref<!tpu.dma_semaphore, #tpu.memory_space<semaphore_mem>>) {add = true}
        %dma_wait3A_555 = arith.constant 0 : i32
        %dma_wait3A_556 = tpu.memref_slice %arg12[%run_scoped3A_232, %dma_wait3A_555] : memref<8x64xi32, #tpu.memory_space<vmem>> -> memref<1x64xi32, #tpu.memory_space<vmem>>
        %dma_wait3A_557 = tpu.memref_squeeze %dma_wait3A_556 : memref<1x64xi32, #tpu.memory_space<vmem>> -> memref<64xi32, #tpu.memory_space<vmem>>
        %dma_wait3A_558 = arith.constant 0 : i32
        %dma_wait3A_559 = arith.constant 0 : i32
        %dma_wait3A_560 = tpu.memref_slice %arg19[%dma_wait3A_558, %dma_wait3A_559] : memref<10240x128xf32, #tpu.memory_space<vmem_shared>> -> memref<10240x128xf32, #tpu.memory_space<vmem_shared>>
        tpu.wait_indirect_dma semaphore(%run_scoped3A_548 : memref<!tpu.dma_semaphore, #tpu.memory_space<semaphore_mem>>) src(%arg17 : memref<64x128xf32, #tpu.memory_space<vmem>>) dst(%dma_wait3A_560 : memref<10240x128xf32, #tpu.memory_space<vmem_shared>>)
        tpu.yield
      }) : () -> ()
      %dma_start3A_233 = arith.constant 3 : i32
      %dma_start3A_234 = arith.constant 0 : i32
      %dma_start3A_235 = tpu.memref_slice %arg12[%dma_start3A_233, %dma_start3A_234] : memref<8x64xi32, #tpu.memory_space<vmem>> -> memref<1x64xi32, #tpu.memory_space<vmem>>
      %dma_start3A_236 = tpu.memref_squeeze %dma_start3A_235 : memref<1x64xi32, #tpu.memory_space<vmem>> -> memref<64xi32, #tpu.memory_space<vmem>>
      %dma_start3A_237 = arith.constant 0 : i32
      %dma_start3A_238 = tpu.memref_slice %arg20[%dma_start3A_237] : memref<10240xf32, #tpu.memory_space<vmem_shared>> -> memref<10240xf32, #tpu.memory_space<vmem_shared>>
      tpu.enqueue_indirect_dma source(%arg18 : memref<64xf32, #tpu.memory_space<vmem>>) target(%dma_start3A_238 : memref<10240xf32, #tpu.memory_space<vmem_shared>>) offsets(%dma_start3A_236 : memref<64xi32, #tpu.memory_space<vmem>>) semaphore(%arg29 : memref<!tpu.dma_semaphore, #tpu.memory_space<semaphore_mem>>) {add = true}
      %dma_start3A_239 = arith.constant 7 : i32
      %dma_start3A_240 = arith.constant 0 : i32
      %dma_start3A_241 = tpu.memref_slice %arg10[%dma_start3A_239, %dma_start3A_240] : memref<8x64xi32, #tpu.memory_space<vmem>> -> memref<1x64xi32, #tpu.memory_space<vmem>>
      %dma_start3A_242 = tpu.memref_squeeze %dma_start3A_241 : memref<1x64xi32, #tpu.memory_space<vmem>> -> memref<64xi32, #tpu.memory_space<vmem>>
      %dma_start3A_243 = arith.constant 0 : i32
      %dma_start3A_244 = arith.constant 0 : i32
      %dma_start3A_245 = tpu.memref_slice %arg2[%dma_start3A_243, %dma_start3A_244] : memref<10000x128xf32, #tpu.memory_space<hbm>> -> memref<10000x128xf32, #tpu.memory_space<hbm>>
      tpu.enqueue_indirect_dma source(%dma_start3A_245 : memref<10000x128xf32, #tpu.memory_space<hbm>>) target(%arg17 : memref<64x128xf32, #tpu.memory_space<vmem>>) offsets(%dma_start3A_242 : memref<64xi32, #tpu.memory_space<vmem>>) semaphore(%arg24 : memref<!tpu.dma_semaphore, #tpu.memory_space<semaphore_mem>>)
      %dma_wait3A_246 = arith.constant 0 : i32
      %dma_wait3A_247 = arith.constant 0 : i32
      %dma_wait3A_248 = tpu.memref_slice %arg10[%dma_wait3A_246, %dma_wait3A_247] : memref<8x64xi32, #tpu.memory_space<vmem>> -> memref<1x64xi32, #tpu.memory_space<vmem>>
      %dma_wait3A_249 = tpu.memref_squeeze %dma_wait3A_248 : memref<1x64xi32, #tpu.memory_space<vmem>> -> memref<64xi32, #tpu.memory_space<vmem>>
      %dma_wait3A_250 = arith.constant 0 : i32
      %dma_wait3A_251 = arith.constant 0 : i32
      %dma_wait3A_252 = tpu.memref_slice %arg2[%dma_wait3A_250, %dma_wait3A_251] : memref<10000x128xf32, #tpu.memory_space<hbm>> -> memref<10000x128xf32, #tpu.memory_space<hbm>>
      tpu.wait_indirect_dma semaphore(%arg21 : memref<!tpu.dma_semaphore, #tpu.memory_space<semaphore_mem>>) src(%dma_wait3A_252 : memref<10000x128xf32, #tpu.memory_space<hbm>>) dst(%arg14 : memref<64x128xf32, #tpu.memory_space<vmem>>)
      %run_scoped3A_253 = arith.constant 4 : i32
      "tpu.region"() ({
        %run_scoped3A_548 = tpu.sem_alloc : memref<!tpu.dma_semaphore, #tpu.memory_space<semaphore_mem>>
        %dma_start3A_549 = arith.constant 0 : i32
        %dma_start3A_550 = tpu.memref_slice %arg12[%run_scoped3A_253, %dma_start3A_549] : memref<8x64xi32, #tpu.memory_space<vmem>> -> memref<1x64xi32, #tpu.memory_space<vmem>>
        %dma_start3A_551 = tpu.memref_squeeze %dma_start3A_550 : memref<1x64xi32, #tpu.memory_space<vmem>> -> memref<64xi32, #tpu.memory_space<vmem>>
        %dma_start3A_552 = arith.constant 0 : i32
        %dma_start3A_553 = arith.constant 0 : i32
        %dma_start3A_554 = tpu.memref_slice %arg19[%dma_start3A_552, %dma_start3A_553] : memref<10240x128xf32, #tpu.memory_space<vmem_shared>> -> memref<10240x128xf32, #tpu.memory_space<vmem_shared>>
        tpu.enqueue_indirect_dma source(%arg14 : memref<64x128xf32, #tpu.memory_space<vmem>>) target(%dma_start3A_554 : memref<10240x128xf32, #tpu.memory_space<vmem_shared>>) offsets(%dma_start3A_551 : memref<64xi32, #tpu.memory_space<vmem>>) semaphore(%run_scoped3A_548 : memref<!tpu.dma_semaphore, #tpu.memory_space<semaphore_mem>>) {add = true}
        %dma_wait3A_555 = arith.constant 0 : i32
        %dma_wait3A_556 = tpu.memref_slice %arg12[%run_scoped3A_253, %dma_wait3A_555] : memref<8x64xi32, #tpu.memory_space<vmem>> -> memref<1x64xi32, #tpu.memory_space<vmem>>
        %dma_wait3A_557 = tpu.memref_squeeze %dma_wait3A_556 : memref<1x64xi32, #tpu.memory_space<vmem>> -> memref<64xi32, #tpu.memory_space<vmem>>
        %dma_wait3A_558 = arith.constant 0 : i32
        %dma_wait3A_559 = arith.constant 0 : i32
        %dma_wait3A_560 = tpu.memref_slice %arg19[%dma_wait3A_558, %dma_wait3A_559] : memref<10240x128xf32, #tpu.memory_space<vmem_shared>> -> memref<10240x128xf32, #tpu.memory_space<vmem_shared>>
        tpu.wait_indirect_dma semaphore(%run_scoped3A_548 : memref<!tpu.dma_semaphore, #tpu.memory_space<semaphore_mem>>) src(%arg14 : memref<64x128xf32, #tpu.memory_space<vmem>>) dst(%dma_wait3A_560 : memref<10240x128xf32, #tpu.memory_space<vmem_shared>>)
        tpu.yield
      }) : () -> ()
      %dma_start3A_254 = arith.constant 4 : i32
      %dma_start3A_255 = arith.constant 0 : i32
      %dma_start3A_256 = tpu.memref_slice %arg12[%dma_start3A_254, %dma_start3A_255] : memref<8x64xi32, #tpu.memory_space<vmem>> -> memref<1x64xi32, #tpu.memory_space<vmem>>
      %dma_start3A_257 = tpu.memref_squeeze %dma_start3A_256 : memref<1x64xi32, #tpu.memory_space<vmem>> -> memref<64xi32, #tpu.memory_space<vmem>>
      %dma_start3A_258 = arith.constant 0 : i32
      %dma_start3A_259 = tpu.memref_slice %arg20[%dma_start3A_258] : memref<10240xf32, #tpu.memory_space<vmem_shared>> -> memref<10240xf32, #tpu.memory_space<vmem_shared>>
      tpu.enqueue_indirect_dma source(%arg18 : memref<64xf32, #tpu.memory_space<vmem>>) target(%dma_start3A_259 : memref<10240xf32, #tpu.memory_space<vmem_shared>>) offsets(%dma_start3A_257 : memref<64xi32, #tpu.memory_space<vmem>>) semaphore(%arg29 : memref<!tpu.dma_semaphore, #tpu.memory_space<semaphore_mem>>) {add = true}
      %dma_wait3A_260 = arith.constant 0 : i32
      %dma_wait3A_261 = arith.constant 0 : i32
      %dma_wait3A_262 = arith.constant 0 : i32
      %dma_wait3A_263 = tpu.memref_slice %arg3[%dma_wait3A_260, %dma_wait3A_261, %dma_wait3A_262] : memref<32x160x64xi32, #tpu.memory_space<hbm>> -> memref<1x8x64xi32, #tpu.memory_space<hbm>>
      %dma_wait3A_264 = tpu.memref_squeeze %dma_wait3A_263 : memref<1x8x64xi32, #tpu.memory_space<hbm>> -> memref<8x64xi32, #tpu.memory_space<hbm>>
      %dma_wait3A_265 = arith.constant 0 : i32
      %dma_wait3A_266 = arith.constant 0 : i32
      %dma_wait3A_267 = tpu.memref_slice %arg3[%dma_wait3A_260, %dma_wait3A_265, %dma_wait3A_266] : memref<32x160x64xi32, #tpu.memory_space<hbm>> -> memref<1x8x64xi32, #tpu.memory_space<hbm>>
      %dma_wait3A_268 = tpu.memref_squeeze %dma_wait3A_267 : memref<1x8x64xi32, #tpu.memory_space<hbm>> -> memref<8x64xi32, #tpu.memory_space<hbm>>
      tpu.wait_dma2 semaphore(%arg26 : memref<!tpu.dma_semaphore, #tpu.memory_space<semaphore_mem>>) src(%dma_wait3A_268 : memref<8x64xi32, #tpu.memory_space<hbm>>) dst(%arg11 : memref<8x64xi32, #tpu.memory_space<vmem>>)
      %dma_wait3A_269 = arith.constant 0 : i32
      %dma_wait3A_270 = arith.constant 0 : i32
      %dma_wait3A_271 = arith.constant 0 : i32
      %dma_wait3A_272 = tpu.memref_slice %arg4[%dma_wait3A_269, %dma_wait3A_270, %dma_wait3A_271] : memref<32x160x64xi32, #tpu.memory_space<hbm>> -> memref<1x8x64xi32, #tpu.memory_space<hbm>>
      %dma_wait3A_273 = tpu.memref_squeeze %dma_wait3A_272 : memref<1x8x64xi32, #tpu.memory_space<hbm>> -> memref<8x64xi32, #tpu.memory_space<hbm>>
      %dma_wait3A_274 = arith.constant 0 : i32
      %dma_wait3A_275 = arith.constant 0 : i32
      %dma_wait3A_276 = tpu.memref_slice %arg4[%dma_wait3A_269, %dma_wait3A_274, %dma_wait3A_275] : memref<32x160x64xi32, #tpu.memory_space<hbm>> -> memref<1x8x64xi32, #tpu.memory_space<hbm>>
      %dma_wait3A_277 = tpu.memref_squeeze %dma_wait3A_276 : memref<1x8x64xi32, #tpu.memory_space<hbm>> -> memref<8x64xi32, #tpu.memory_space<hbm>>
      tpu.wait_dma2 semaphore(%arg28 : memref<!tpu.dma_semaphore, #tpu.memory_space<semaphore_mem>>) src(%dma_wait3A_277 : memref<8x64xi32, #tpu.memory_space<hbm>>) dst(%arg13 : memref<8x64xi32, #tpu.memory_space<vmem>>)
      %dma_start3A_278 = arith.constant 0 : i32
      %dma_start3A_279 = arith.constant 0 : i32
      %dma_start3A_280 = tpu.memref_slice %arg11[%dma_start3A_278, %dma_start3A_279] : memref<8x64xi32, #tpu.memory_space<vmem>> -> memref<1x64xi32, #tpu.memory_space<vmem>>
      %dma_start3A_281 = tpu.memref_squeeze %dma_start3A_280 : memref<1x64xi32, #tpu.memory_space<vmem>> -> memref<64xi32, #tpu.memory_space<vmem>>
      %dma_start3A_282 = arith.constant 0 : i32
      %dma_start3A_283 = arith.constant 0 : i32
      %dma_start3A_284 = tpu.memref_slice %arg2[%dma_start3A_282, %dma_start3A_283] : memref<10000x128xf32, #tpu.memory_space<hbm>> -> memref<10000x128xf32, #tpu.memory_space<hbm>>
      tpu.enqueue_indirect_dma source(%dma_start3A_284 : memref<10000x128xf32, #tpu.memory_space<hbm>>) target(%arg14 : memref<64x128xf32, #tpu.memory_space<vmem>>) offsets(%dma_start3A_281 : memref<64xi32, #tpu.memory_space<vmem>>) semaphore(%arg21 : memref<!tpu.dma_semaphore, #tpu.memory_space<semaphore_mem>>)
      %dma_wait3A_285 = arith.constant 0 : i32
      %dma_wait3A_286 = arith.constant 0 : i32
      %dma_wait3A_287 = tpu.memref_slice %arg10[%dma_wait3A_285, %dma_wait3A_286] : memref<8x64xi32, #tpu.memory_space<vmem>> -> memref<1x64xi32, #tpu.memory_space<vmem>>
      %dma_wait3A_288 = tpu.memref_squeeze %dma_wait3A_287 : memref<1x64xi32, #tpu.memory_space<vmem>> -> memref<64xi32, #tpu.memory_space<vmem>>
      %dma_wait3A_289 = arith.constant 0 : i32
      %dma_wait3A_290 = arith.constant 0 : i32
      %dma_wait3A_291 = tpu.memref_slice %arg2[%dma_wait3A_289, %dma_wait3A_290] : memref<10000x128xf32, #tpu.memory_space<hbm>> -> memref<10000x128xf32, #tpu.memory_space<hbm>>
      tpu.wait_indirect_dma semaphore(%arg22 : memref<!tpu.dma_semaphore, #tpu.memory_space<semaphore_mem>>) src(%dma_wait3A_291 : memref<10000x128xf32, #tpu.memory_space<hbm>>) dst(%arg15 : memref<64x128xf32, #tpu.memory_space<vmem>>)
      %run_scoped3A_292 = arith.constant 5 : i32
      "tpu.region"() ({
        %run_scoped3A_548 = tpu.sem_alloc : memref<!tpu.dma_semaphore, #tpu.memory_space<semaphore_mem>>
        %dma_start3A_549 = arith.constant 0 : i32
        %dma_start3A_550 = tpu.memref_slice %arg12[%run_scoped3A_292, %dma_start3A_549] : memref<8x64xi32, #tpu.memory_space<vmem>> -> memref<1x64xi32, #tpu.memory_space<vmem>>
        %dma_start3A_551 = tpu.memref_squeeze %dma_start3A_550 : memref<1x64xi32, #tpu.memory_space<vmem>> -> memref<64xi32, #tpu.memory_space<vmem>>
        %dma_start3A_552 = arith.constant 0 : i32
        %dma_start3A_553 = arith.constant 0 : i32
        %dma_start3A_554 = tpu.memref_slice %arg19[%dma_start3A_552, %dma_start3A_553] : memref<10240x128xf32, #tpu.memory_space<vmem_shared>> -> memref<10240x128xf32, #tpu.memory_space<vmem_shared>>
        tpu.enqueue_indirect_dma source(%arg15 : memref<64x128xf32, #tpu.memory_space<vmem>>) target(%dma_start3A_554 : memref<10240x128xf32, #tpu.memory_space<vmem_shared>>) offsets(%dma_start3A_551 : memref<64xi32, #tpu.memory_space<vmem>>) semaphore(%run_scoped3A_548 : memref<!tpu.dma_semaphore, #tpu.memory_space<semaphore_mem>>) {add = true}
        %dma_wait3A_555 = arith.constant 0 : i32
        %dma_wait3A_556 = tpu.memref_slice %arg12[%run_scoped3A_292, %dma_wait3A_555] : memref<8x64xi32, #tpu.memory_space<vmem>> -> memref<1x64xi32, #tpu.memory_space<vmem>>
        %dma_wait3A_557 = tpu.memref_squeeze %dma_wait3A_556 : memref<1x64xi32, #tpu.memory_space<vmem>> -> memref<64xi32, #tpu.memory_space<vmem>>
        %dma_wait3A_558 = arith.constant 0 : i32
        %dma_wait3A_559 = arith.constant 0 : i32
        %dma_wait3A_560 = tpu.memref_slice %arg19[%dma_wait3A_558, %dma_wait3A_559] : memref<10240x128xf32, #tpu.memory_space<vmem_shared>> -> memref<10240x128xf32, #tpu.memory_space<vmem_shared>>
        tpu.wait_indirect_dma semaphore(%run_scoped3A_548 : memref<!tpu.dma_semaphore, #tpu.memory_space<semaphore_mem>>) src(%arg15 : memref<64x128xf32, #tpu.memory_space<vmem>>) dst(%dma_wait3A_560 : memref<10240x128xf32, #tpu.memory_space<vmem_shared>>)
        tpu.yield
      }) : () -> ()
      %dma_start3A_293 = arith.constant 5 : i32
      %dma_start3A_294 = arith.constant 0 : i32
      %dma_start3A_295 = tpu.memref_slice %arg12[%dma_start3A_293, %dma_start3A_294] : memref<8x64xi32, #tpu.memory_space<vmem>> -> memref<1x64xi32, #tpu.memory_space<vmem>>
      %dma_start3A_296 = tpu.memref_squeeze %dma_start3A_295 : memref<1x64xi32, #tpu.memory_space<vmem>> -> memref<64xi32, #tpu.memory_space<vmem>>
      %dma_start3A_297 = arith.constant 0 : i32
      %dma_start3A_298 = tpu.memref_slice %arg20[%dma_start3A_297] : memref<10240xf32, #tpu.memory_space<vmem_shared>> -> memref<10240xf32, #tpu.memory_space<vmem_shared>>
      tpu.enqueue_indirect_dma source(%arg18 : memref<64xf32, #tpu.memory_space<vmem>>) target(%dma_start3A_298 : memref<10240xf32, #tpu.memory_space<vmem_shared>>) offsets(%dma_start3A_296 : memref<64xi32, #tpu.memory_space<vmem>>) semaphore(%arg29 : memref<!tpu.dma_semaphore, #tpu.memory_space<semaphore_mem>>) {add = true}
      %dma_start3A_299 = arith.constant 1 : i32
      %dma_start3A_300 = arith.constant 0 : i32
      %dma_start3A_301 = tpu.memref_slice %arg11[%dma_start3A_299, %dma_start3A_300] : memref<8x64xi32, #tpu.memory_space<vmem>> -> memref<1x64xi32, #tpu.memory_space<vmem>>
      %dma_start3A_302 = tpu.memref_squeeze %dma_start3A_301 : memref<1x64xi32, #tpu.memory_space<vmem>> -> memref<64xi32, #tpu.memory_space<vmem>>
      %dma_start3A_303 = arith.constant 0 : i32
      %dma_start3A_304 = arith.constant 0 : i32
      %dma_start3A_305 = tpu.memref_slice %arg2[%dma_start3A_303, %dma_start3A_304] : memref<10000x128xf32, #tpu.memory_space<hbm>> -> memref<10000x128xf32, #tpu.memory_space<hbm>>
      tpu.enqueue_indirect_dma source(%dma_start3A_305 : memref<10000x128xf32, #tpu.memory_space<hbm>>) target(%arg15 : memref<64x128xf32, #tpu.memory_space<vmem>>) offsets(%dma_start3A_302 : memref<64xi32, #tpu.memory_space<vmem>>) semaphore(%arg22 : memref<!tpu.dma_semaphore, #tpu.memory_space<semaphore_mem>>)
      %dma_wait3A_306 = arith.constant 0 : i32
      %dma_wait3A_307 = arith.constant 0 : i32
      %dma_wait3A_308 = tpu.memref_slice %arg10[%dma_wait3A_306, %dma_wait3A_307] : memref<8x64xi32, #tpu.memory_space<vmem>> -> memref<1x64xi32, #tpu.memory_space<vmem>>
      %dma_wait3A_309 = tpu.memref_squeeze %dma_wait3A_308 : memref<1x64xi32, #tpu.memory_space<vmem>> -> memref<64xi32, #tpu.memory_space<vmem>>
      %dma_wait3A_310 = arith.constant 0 : i32
      %dma_wait3A_311 = arith.constant 0 : i32
      %dma_wait3A_312 = tpu.memref_slice %arg2[%dma_wait3A_310, %dma_wait3A_311] : memref<10000x128xf32, #tpu.memory_space<hbm>> -> memref<10000x128xf32, #tpu.memory_space<hbm>>
      tpu.wait_indirect_dma semaphore(%arg23 : memref<!tpu.dma_semaphore, #tpu.memory_space<semaphore_mem>>) src(%dma_wait3A_312 : memref<10000x128xf32, #tpu.memory_space<hbm>>) dst(%arg16 : memref<64x128xf32, #tpu.memory_space<vmem>>)
      %run_scoped3A_313 = arith.constant 6 : i32
      "tpu.region"() ({
        %run_scoped3A_548 = tpu.sem_alloc : memref<!tpu.dma_semaphore, #tpu.memory_space<semaphore_mem>>
        %dma_start3A_549 = arith.constant 0 : i32
        %dma_start3A_550 = tpu.memref_slice %arg12[%run_scoped3A_313, %dma_start3A_549] : memref<8x64xi32, #tpu.memory_space<vmem>> -> memref<1x64xi32, #tpu.memory_space<vmem>>
        %dma_start3A_551 = tpu.memref_squeeze %dma_start3A_550 : memref<1x64xi32, #tpu.memory_space<vmem>> -> memref<64xi32, #tpu.memory_space<vmem>>
        %dma_start3A_552 = arith.constant 0 : i32
        %dma_start3A_553 = arith.constant 0 : i32
        %dma_start3A_554 = tpu.memref_slice %arg19[%dma_start3A_552, %dma_start3A_553] : memref<10240x128xf32, #tpu.memory_space<vmem_shared>> -> memref<10240x128xf32, #tpu.memory_space<vmem_shared>>
        tpu.enqueue_indirect_dma source(%arg16 : memref<64x128xf32, #tpu.memory_space<vmem>>) target(%dma_start3A_554 : memref<10240x128xf32, #tpu.memory_space<vmem_shared>>) offsets(%dma_start3A_551 : memref<64xi32, #tpu.memory_space<vmem>>) semaphore(%run_scoped3A_548 : memref<!tpu.dma_semaphore, #tpu.memory_space<semaphore_mem>>) {add = true}
        %dma_wait3A_555 = arith.constant 0 : i32
        %dma_wait3A_556 = tpu.memref_slice %arg12[%run_scoped3A_313, %dma_wait3A_555] : memref<8x64xi32, #tpu.memory_space<vmem>> -> memref<1x64xi32, #tpu.memory_space<vmem>>
        %dma_wait3A_557 = tpu.memref_squeeze %dma_wait3A_556 : memref<1x64xi32, #tpu.memory_space<vmem>> -> memref<64xi32, #tpu.memory_space<vmem>>
        %dma_wait3A_558 = arith.constant 0 : i32
        %dma_wait3A_559 = arith.constant 0 : i32
        %dma_wait3A_560 = tpu.memref_slice %arg19[%dma_wait3A_558, %dma_wait3A_559] : memref<10240x128xf32, #tpu.memory_space<vmem_shared>> -> memref<10240x128xf32, #tpu.memory_space<vmem_shared>>
        tpu.wait_indirect_dma semaphore(%run_scoped3A_548 : memref<!tpu.dma_semaphore, #tpu.memory_space<semaphore_mem>>) src(%arg16 : memref<64x128xf32, #tpu.memory_space<vmem>>) dst(%dma_wait3A_560 : memref<10240x128xf32, #tpu.memory_space<vmem_shared>>)
        tpu.yield
      }) : () -> ()
      %dma_start3A_314 = arith.constant 6 : i32
      %dma_start3A_315 = arith.constant 0 : i32
      %dma_start3A_316 = tpu.memref_slice %arg12[%dma_start3A_314, %dma_start3A_315] : memref<8x64xi32, #tpu.memory_space<vmem>> -> memref<1x64xi32, #tpu.memory_space<vmem>>
      %dma_start3A_317 = tpu.memref_squeeze %dma_start3A_316 : memref<1x64xi32, #tpu.memory_space<vmem>> -> memref<64xi32, #tpu.memory_space<vmem>>
      %dma_start3A_318 = arith.constant 0 : i32
      %dma_start3A_319 = tpu.memref_slice %arg20[%dma_start3A_318] : memref<10240xf32, #tpu.memory_space<vmem_shared>> -> memref<10240xf32, #tpu.memory_space<vmem_shared>>
      tpu.enqueue_indirect_dma source(%arg18 : memref<64xf32, #tpu.memory_space<vmem>>) target(%dma_start3A_319 : memref<10240xf32, #tpu.memory_space<vmem_shared>>) offsets(%dma_start3A_317 : memref<64xi32, #tpu.memory_space<vmem>>) semaphore(%arg29 : memref<!tpu.dma_semaphore, #tpu.memory_space<semaphore_mem>>) {add = true}
      %dma_start3A_320 = arith.constant 2 : i32
      %dma_start3A_321 = arith.constant 0 : i32
      %dma_start3A_322 = tpu.memref_slice %arg11[%dma_start3A_320, %dma_start3A_321] : memref<8x64xi32, #tpu.memory_space<vmem>> -> memref<1x64xi32, #tpu.memory_space<vmem>>
      %dma_start3A_323 = tpu.memref_squeeze %dma_start3A_322 : memref<1x64xi32, #tpu.memory_space<vmem>> -> memref<64xi32, #tpu.memory_space<vmem>>
      %dma_start3A_324 = arith.constant 0 : i32
      %dma_start3A_325 = arith.constant 0 : i32
      %dma_start3A_326 = tpu.memref_slice %arg2[%dma_start3A_324, %dma_start3A_325] : memref<10000x128xf32, #tpu.memory_space<hbm>> -> memref<10000x128xf32, #tpu.memory_space<hbm>>
      tpu.enqueue_indirect_dma source(%dma_start3A_326 : memref<10000x128xf32, #tpu.memory_space<hbm>>) target(%arg16 : memref<64x128xf32, #tpu.memory_space<vmem>>) offsets(%dma_start3A_323 : memref<64xi32, #tpu.memory_space<vmem>>) semaphore(%arg23 : memref<!tpu.dma_semaphore, #tpu.memory_space<semaphore_mem>>)
      %dma_wait3A_327 = arith.constant 0 : i32
      %dma_wait3A_328 = arith.constant 0 : i32
      %dma_wait3A_329 = tpu.memref_slice %arg10[%dma_wait3A_327, %dma_wait3A_328] : memref<8x64xi32, #tpu.memory_space<vmem>> -> memref<1x64xi32, #tpu.memory_space<vmem>>
      %dma_wait3A_330 = tpu.memref_squeeze %dma_wait3A_329 : memref<1x64xi32, #tpu.memory_space<vmem>> -> memref<64xi32, #tpu.memory_space<vmem>>
      %dma_wait3A_331 = arith.constant 0 : i32
      %dma_wait3A_332 = arith.constant 0 : i32
      %dma_wait3A_333 = tpu.memref_slice %arg2[%dma_wait3A_331, %dma_wait3A_332] : memref<10000x128xf32, #tpu.memory_space<hbm>> -> memref<10000x128xf32, #tpu.memory_space<hbm>>
      tpu.wait_indirect_dma semaphore(%arg24 : memref<!tpu.dma_semaphore, #tpu.memory_space<semaphore_mem>>) src(%dma_wait3A_333 : memref<10000x128xf32, #tpu.memory_space<hbm>>) dst(%arg17 : memref<64x128xf32, #tpu.memory_space<vmem>>)
      %run_scoped3A_334 = arith.constant 7 : i32
      "tpu.region"() ({
        %run_scoped3A_548 = tpu.sem_alloc : memref<!tpu.dma_semaphore, #tpu.memory_space<semaphore_mem>>
        %dma_start3A_549 = arith.constant 0 : i32
        %dma_start3A_550 = tpu.memref_slice %arg12[%run_scoped3A_334, %dma_start3A_549] : memref<8x64xi32, #tpu.memory_space<vmem>> -> memref<1x64xi32, #tpu.memory_space<vmem>>
        %dma_start3A_551 = tpu.memref_squeeze %dma_start3A_550 : memref<1x64xi32, #tpu.memory_space<vmem>> -> memref<64xi32, #tpu.memory_space<vmem>>
        %dma_start3A_552 = arith.constant 0 : i32
        %dma_start3A_553 = arith.constant 0 : i32
        %dma_start3A_554 = tpu.memref_slice %arg19[%dma_start3A_552, %dma_start3A_553] : memref<10240x128xf32, #tpu.memory_space<vmem_shared>> -> memref<10240x128xf32, #tpu.memory_space<vmem_shared>>
        tpu.enqueue_indirect_dma source(%arg17 : memref<64x128xf32, #tpu.memory_space<vmem>>) target(%dma_start3A_554 : memref<10240x128xf32, #tpu.memory_space<vmem_shared>>) offsets(%dma_start3A_551 : memref<64xi32, #tpu.memory_space<vmem>>) semaphore(%run_scoped3A_548 : memref<!tpu.dma_semaphore, #tpu.memory_space<semaphore_mem>>) {add = true}
        %dma_wait3A_555 = arith.constant 0 : i32
        %dma_wait3A_556 = tpu.memref_slice %arg12[%run_scoped3A_334, %dma_wait3A_555] : memref<8x64xi32, #tpu.memory_space<vmem>> -> memref<1x64xi32, #tpu.memory_space<vmem>>
        %dma_wait3A_557 = tpu.memref_squeeze %dma_wait3A_556 : memref<1x64xi32, #tpu.memory_space<vmem>> -> memref<64xi32, #tpu.memory_space<vmem>>
        %dma_wait3A_558 = arith.constant 0 : i32
        %dma_wait3A_559 = arith.constant 0 : i32
        %dma_wait3A_560 = tpu.memref_slice %arg19[%dma_wait3A_558, %dma_wait3A_559] : memref<10240x128xf32, #tpu.memory_space<vmem_shared>> -> memref<10240x128xf32, #tpu.memory_space<vmem_shared>>
        tpu.wait_indirect_dma semaphore(%run_scoped3A_548 : memref<!tpu.dma_semaphore, #tpu.memory_space<semaphore_mem>>) src(%arg17 : memref<64x128xf32, #tpu.memory_space<vmem>>) dst(%dma_wait3A_560 : memref<10240x128xf32, #tpu.memory_space<vmem_shared>>)
        tpu.yield
      }) : () -> ()
      %dma_start3A_335 = arith.constant 7 : i32
      %dma_start3A_336 = arith.constant 0 : i32
      %dma_start3A_337 = tpu.memref_slice %arg12[%dma_start3A_335, %dma_start3A_336] : memref<8x64xi32, #tpu.memory_space<vmem>> -> memref<1x64xi32, #tpu.memory_space<vmem>>
      %dma_start3A_338 = tpu.memref_squeeze %dma_start3A_337 : memref<1x64xi32, #tpu.memory_space<vmem>> -> memref<64xi32, #tpu.memory_space<vmem>>
      %dma_start3A_339 = arith.constant 0 : i32
      %dma_start3A_340 = tpu.memref_slice %arg20[%dma_start3A_339] : memref<10240xf32, #tpu.memory_space<vmem_shared>> -> memref<10240xf32, #tpu.memory_space<vmem_shared>>
      tpu.enqueue_indirect_dma source(%arg18 : memref<64xf32, #tpu.memory_space<vmem>>) target(%dma_start3A_340 : memref<10240xf32, #tpu.memory_space<vmem_shared>>) offsets(%dma_start3A_338 : memref<64xi32, #tpu.memory_space<vmem>>) semaphore(%arg29 : memref<!tpu.dma_semaphore, #tpu.memory_space<semaphore_mem>>) {add = true}
      %dma_start3A_341 = arith.constant 3 : i32
      %dma_start3A_342 = arith.constant 0 : i32
      %dma_start3A_343 = tpu.memref_slice %arg11[%dma_start3A_341, %dma_start3A_342] : memref<8x64xi32, #tpu.memory_space<vmem>> -> memref<1x64xi32, #tpu.memory_space<vmem>>
      %dma_start3A_344 = tpu.memref_squeeze %dma_start3A_343 : memref<1x64xi32, #tpu.memory_space<vmem>> -> memref<64xi32, #tpu.memory_space<vmem>>
      %dma_start3A_345 = arith.constant 0 : i32
      %dma_start3A_346 = arith.constant 0 : i32
      %dma_start3A_347 = tpu.memref_slice %arg2[%dma_start3A_345, %dma_start3A_346] : memref<10000x128xf32, #tpu.memory_space<hbm>> -> memref<10000x128xf32, #tpu.memory_space<hbm>>
      tpu.enqueue_indirect_dma source(%dma_start3A_347 : memref<10000x128xf32, #tpu.memory_space<hbm>>) target(%arg17 : memref<64x128xf32, #tpu.memory_space<vmem>>) offsets(%dma_start3A_344 : memref<64xi32, #tpu.memory_space<vmem>>) semaphore(%arg24 : memref<!tpu.dma_semaphore, #tpu.memory_space<semaphore_mem>>)
      %mul3A_348 = arith.constant 2 : i32
      %mul3A_349 = arith.muli %mul3A_348, %add3A_137 : i32
      %add3A_350 = arith.constant 1 : i32
      %add3A_351 = arith.addi %mul3A_349, %add3A_350 : i32
      %lt3A = arith.constant 9 : i32
      %lt3A_352 = arith.cmpi slt, %add3A_137, %lt3A : i32
      %gt3A_353 = arith.constant 0 : i32
      %gt3A_354 = arith.cmpi sgt, %add3A_351, %gt3A_353 : i32
      %convert_element_type3A_355 = arith.extui %gt3A_354 : i1 to i32
      %cond3A_356 = arith.constant 0 : i32
      %cond3A_357 = arith.cmpi ne, %convert_element_type3A_355, %cond3A_356 : i32
      scf.if %cond3A_357 {
        %dma_wait3A_548 = arith.constant 0 : i32
        %dma_wait3A_549 = arith.constant 0 : i32
        %dma_wait3A_550 = tpu.memref_slice %arg12[%dma_wait3A_548, %dma_wait3A_549] : memref<8x64xi32, #tpu.memory_space<vmem>> -> memref<1x64xi32, #tpu.memory_space<vmem>>
        %dma_wait3A_551 = tpu.memref_squeeze %dma_wait3A_550 : memref<1x64xi32, #tpu.memory_space<vmem>> -> memref<64xi32, #tpu.memory_space<vmem>>
        %dma_wait3A_552 = arith.constant 0 : i32
        %dma_wait3A_553 = tpu.memref_slice %arg20[%dma_wait3A_552] : memref<10240xf32, #tpu.memory_space<vmem_shared>> -> memref<10240xf32, #tpu.memory_space<vmem_shared>>
        tpu.wait_indirect_dma semaphore(%arg29 : memref<!tpu.dma_semaphore, #tpu.memory_space<semaphore_mem>>) src(%arg18 : memref<64xf32, #tpu.memory_space<vmem>>) dst(%dma_wait3A_553 : memref<10240xf32, #tpu.memory_space<vmem_shared>>)
        %dma_wait3A_554 = arith.constant 0 : i32
        %dma_wait3A_555 = arith.constant 0 : i32
        %dma_wait3A_556 = tpu.memref_slice %arg12[%dma_wait3A_554, %dma_wait3A_555] : memref<8x64xi32, #tpu.memory_space<vmem>> -> memref<1x64xi32, #tpu.memory_space<vmem>>
        %dma_wait3A_557 = tpu.memref_squeeze %dma_wait3A_556 : memref<1x64xi32, #tpu.memory_space<vmem>> -> memref<64xi32, #tpu.memory_space<vmem>>
        %dma_wait3A_558 = arith.constant 0 : i32
        %dma_wait3A_559 = tpu.memref_slice %arg20[%dma_wait3A_558] : memref<10240xf32, #tpu.memory_space<vmem_shared>> -> memref<10240xf32, #tpu.memory_space<vmem_shared>>
        tpu.wait_indirect_dma semaphore(%arg29 : memref<!tpu.dma_semaphore, #tpu.memory_space<semaphore_mem>>) src(%arg18 : memref<64xf32, #tpu.memory_space<vmem>>) dst(%dma_wait3A_559 : memref<10240xf32, #tpu.memory_space<vmem_shared>>)
        %dma_wait3A_560 = arith.constant 0 : i32
        %dma_wait3A_561 = arith.constant 0 : i32
        %dma_wait3A_562 = tpu.memref_slice %arg12[%dma_wait3A_560, %dma_wait3A_561] : memref<8x64xi32, #tpu.memory_space<vmem>> -> memref<1x64xi32, #tpu.memory_space<vmem>>
        %dma_wait3A_563 = tpu.memref_squeeze %dma_wait3A_562 : memref<1x64xi32, #tpu.memory_space<vmem>> -> memref<64xi32, #tpu.memory_space<vmem>>
        %dma_wait3A_564 = arith.constant 0 : i32
        %dma_wait3A_565 = tpu.memref_slice %arg20[%dma_wait3A_564] : memref<10240xf32, #tpu.memory_space<vmem_shared>> -> memref<10240xf32, #tpu.memory_space<vmem_shared>>
        tpu.wait_indirect_dma semaphore(%arg29 : memref<!tpu.dma_semaphore, #tpu.memory_space<semaphore_mem>>) src(%arg18 : memref<64xf32, #tpu.memory_space<vmem>>) dst(%dma_wait3A_565 : memref<10240xf32, #tpu.memory_space<vmem_shared>>)
        %dma_wait3A_566 = arith.constant 0 : i32
        %dma_wait3A_567 = arith.constant 0 : i32
        %dma_wait3A_568 = tpu.memref_slice %arg12[%dma_wait3A_566, %dma_wait3A_567] : memref<8x64xi32, #tpu.memory_space<vmem>> -> memref<1x64xi32, #tpu.memory_space<vmem>>
        %dma_wait3A_569 = tpu.memref_squeeze %dma_wait3A_568 : memref<1x64xi32, #tpu.memory_space<vmem>> -> memref<64xi32, #tpu.memory_space<vmem>>
        %dma_wait3A_570 = arith.constant 0 : i32
        %dma_wait3A_571 = tpu.memref_slice %arg20[%dma_wait3A_570] : memref<10240xf32, #tpu.memory_space<vmem_shared>> -> memref<10240xf32, #tpu.memory_space<vmem_shared>>
        tpu.wait_indirect_dma semaphore(%arg29 : memref<!tpu.dma_semaphore, #tpu.memory_space<semaphore_mem>>) src(%arg18 : memref<64xf32, #tpu.memory_space<vmem>>) dst(%dma_wait3A_571 : memref<10240xf32, #tpu.memory_space<vmem_shared>>)
        %dma_wait3A_572 = arith.constant 0 : i32
        %dma_wait3A_573 = arith.constant 0 : i32
        %dma_wait3A_574 = tpu.memref_slice %arg12[%dma_wait3A_572, %dma_wait3A_573] : memref<8x64xi32, #tpu.memory_space<vmem>> -> memref<1x64xi32, #tpu.memory_space<vmem>>
        %dma_wait3A_575 = tpu.memref_squeeze %dma_wait3A_574 : memref<1x64xi32, #tpu.memory_space<vmem>> -> memref<64xi32, #tpu.memory_space<vmem>>
        %dma_wait3A_576 = arith.constant 0 : i32
        %dma_wait3A_577 = tpu.memref_slice %arg20[%dma_wait3A_576] : memref<10240xf32, #tpu.memory_space<vmem_shared>> -> memref<10240xf32, #tpu.memory_space<vmem_shared>>
        tpu.wait_indirect_dma semaphore(%arg29 : memref<!tpu.dma_semaphore, #tpu.memory_space<semaphore_mem>>) src(%arg18 : memref<64xf32, #tpu.memory_space<vmem>>) dst(%dma_wait3A_577 : memref<10240xf32, #tpu.memory_space<vmem_shared>>)
        %dma_wait3A_578 = arith.constant 0 : i32
        %dma_wait3A_579 = arith.constant 0 : i32
        %dma_wait3A_580 = tpu.memref_slice %arg12[%dma_wait3A_578, %dma_wait3A_579] : memref<8x64xi32, #tpu.memory_space<vmem>> -> memref<1x64xi32, #tpu.memory_space<vmem>>
        %dma_wait3A_581 = tpu.memref_squeeze %dma_wait3A_580 : memref<1x64xi32, #tpu.memory_space<vmem>> -> memref<64xi32, #tpu.memory_space<vmem>>
        %dma_wait3A_582 = arith.constant 0 : i32
        %dma_wait3A_583 = tpu.memref_slice %arg20[%dma_wait3A_582] : memref<10240xf32, #tpu.memory_space<vmem_shared>> -> memref<10240xf32, #tpu.memory_space<vmem_shared>>
        tpu.wait_indirect_dma semaphore(%arg29 : memref<!tpu.dma_semaphore, #tpu.memory_space<semaphore_mem>>) src(%arg18 : memref<64xf32, #tpu.memory_space<vmem>>) dst(%dma_wait3A_583 : memref<10240xf32, #tpu.memory_space<vmem_shared>>)
        %dma_wait3A_584 = arith.constant 0 : i32
        %dma_wait3A_585 = arith.constant 0 : i32
        %dma_wait3A_586 = tpu.memref_slice %arg12[%dma_wait3A_584, %dma_wait3A_585] : memref<8x64xi32, #tpu.memory_space<vmem>> -> memref<1x64xi32, #tpu.memory_space<vmem>>
        %dma_wait3A_587 = tpu.memref_squeeze %dma_wait3A_586 : memref<1x64xi32, #tpu.memory_space<vmem>> -> memref<64xi32, #tpu.memory_space<vmem>>
        %dma_wait3A_588 = arith.constant 0 : i32
        %dma_wait3A_589 = tpu.memref_slice %arg20[%dma_wait3A_588] : memref<10240xf32, #tpu.memory_space<vmem_shared>> -> memref<10240xf32, #tpu.memory_space<vmem_shared>>
        tpu.wait_indirect_dma semaphore(%arg29 : memref<!tpu.dma_semaphore, #tpu.memory_space<semaphore_mem>>) src(%arg18 : memref<64xf32, #tpu.memory_space<vmem>>) dst(%dma_wait3A_589 : memref<10240xf32, #tpu.memory_space<vmem_shared>>)
        %dma_wait3A_590 = arith.constant 0 : i32
        %dma_wait3A_591 = arith.constant 0 : i32
        %dma_wait3A_592 = tpu.memref_slice %arg12[%dma_wait3A_590, %dma_wait3A_591] : memref<8x64xi32, #tpu.memory_space<vmem>> -> memref<1x64xi32, #tpu.memory_space<vmem>>
        %dma_wait3A_593 = tpu.memref_squeeze %dma_wait3A_592 : memref<1x64xi32, #tpu.memory_space<vmem>> -> memref<64xi32, #tpu.memory_space<vmem>>
        %dma_wait3A_594 = arith.constant 0 : i32
        %dma_wait3A_595 = tpu.memref_slice %arg20[%dma_wait3A_594] : memref<10240xf32, #tpu.memory_space<vmem_shared>> -> memref<10240xf32, #tpu.memory_space<vmem_shared>>
        tpu.wait_indirect_dma semaphore(%arg29 : memref<!tpu.dma_semaphore, #tpu.memory_space<semaphore_mem>>) src(%arg18 : memref<64xf32, #tpu.memory_space<vmem>>) dst(%dma_wait3A_595 : memref<10240xf32, #tpu.memory_space<vmem_shared>>)
      } else {
      }
      %add3A_358 = arith.constant 1 : i32
      %add3A_359 = arith.addi %add3A_351, %add3A_358 : i32
      %min3A_360 = arith.constant 19 : i32
      %min3A_361 = arith.minsi %add3A_359, %min3A_360 : i32
      %mul3A_362 = arith.constant 8 : i32
      %mul3A_363 = arith.muli %min3A_361, %mul3A_362 : i32
      %dma_start3A_364 = arith.constant 0 : i32
      %dma_start3A_365 = tpu.memref_slice %arg3[%add3A, %mul3A_363, %dma_start3A_364] : memref<32x160x64xi32, #tpu.memory_space<hbm>> -> memref<1x8x64xi32, #tpu.memory_space<hbm>>
      %dma_start3A_366 = tpu.memref_squeeze %dma_start3A_365 : memref<1x8x64xi32, #tpu.memory_space<hbm>> -> memref<8x64xi32, #tpu.memory_space<hbm>>
      %dma_start3A_367 = arith.constant 0 : i32
      %dma_start3A_368 = tpu.memref_slice %arg3[%add3A, %mul3A_363, %dma_start3A_367] : memref<32x160x64xi32, #tpu.memory_space<hbm>> -> memref<1x8x64xi32, #tpu.memory_space<hbm>>
      %dma_start3A_369 = tpu.memref_squeeze %dma_start3A_368 : memref<1x8x64xi32, #tpu.memory_space<hbm>> -> memref<8x64xi32, #tpu.memory_space<hbm>>
      tpu.enqueue_dma source(%dma_start3A_369 : memref<8x64xi32, #tpu.memory_space<hbm>>) target(%arg10 : memref<8x64xi32, #tpu.memory_space<vmem>>) target_semaphore(%arg25 : memref<!tpu.dma_semaphore, #tpu.memory_space<semaphore_mem>>)
      %mul3A_370 = arith.constant 8 : i32
      %mul3A_371 = arith.muli %min3A_361, %mul3A_370 : i32
      %dma_start3A_372 = arith.constant 0 : i32
      %dma_start3A_373 = tpu.memref_slice %arg4[%add3A, %mul3A_371, %dma_start3A_372] : memref<32x160x64xi32, #tpu.memory_space<hbm>> -> memref<1x8x64xi32, #tpu.memory_space<hbm>>
      %dma_start3A_374 = tpu.memref_squeeze %dma_start3A_373 : memref<1x8x64xi32, #tpu.memory_space<hbm>> -> memref<8x64xi32, #tpu.memory_space<hbm>>
      %dma_start3A_375 = arith.constant 0 : i32
      %dma_start3A_376 = tpu.memref_slice %arg4[%add3A, %mul3A_371, %dma_start3A_375] : memref<32x160x64xi32, #tpu.memory_space<hbm>> -> memref<1x8x64xi32, #tpu.memory_space<hbm>>
      %dma_start3A_377 = tpu.memref_squeeze %dma_start3A_376 : memref<1x8x64xi32, #tpu.memory_space<hbm>> -> memref<8x64xi32, #tpu.memory_space<hbm>>
      tpu.enqueue_dma source(%dma_start3A_377 : memref<8x64xi32, #tpu.memory_space<hbm>>) target(%arg12 : memref<8x64xi32, #tpu.memory_space<vmem>>) target_semaphore(%arg27 : memref<!tpu.dma_semaphore, #tpu.memory_space<semaphore_mem>>)
      %dma_wait3A_378 = arith.constant 0 : i32
      %dma_wait3A_379 = arith.constant 0 : i32
      %dma_wait3A_380 = tpu.memref_slice %arg10[%dma_wait3A_378, %dma_wait3A_379] : memref<8x64xi32, #tpu.memory_space<vmem>> -> memref<1x64xi32, #tpu.memory_space<vmem>>
      %dma_wait3A_381 = tpu.memref_squeeze %dma_wait3A_380 : memref<1x64xi32, #tpu.memory_space<vmem>> -> memref<64xi32, #tpu.memory_space<vmem>>
      %dma_wait3A_382 = arith.constant 0 : i32
      %dma_wait3A_383 = arith.constant 0 : i32
      %dma_wait3A_384 = tpu.memref_slice %arg2[%dma_wait3A_382, %dma_wait3A_383] : memref<10000x128xf32, #tpu.memory_space<hbm>> -> memref<10000x128xf32, #tpu.memory_space<hbm>>
      tpu.wait_indirect_dma semaphore(%arg21 : memref<!tpu.dma_semaphore, #tpu.memory_space<semaphore_mem>>) src(%dma_wait3A_384 : memref<10000x128xf32, #tpu.memory_space<hbm>>) dst(%arg14 : memref<64x128xf32, #tpu.memory_space<vmem>>)
      %run_scoped3A_385 = arith.constant 0 : i32
      "tpu.region"() ({
        %run_scoped3A_548 = tpu.sem_alloc : memref<!tpu.dma_semaphore, #tpu.memory_space<semaphore_mem>>
        %dma_start3A_549 = arith.constant 0 : i32
        %dma_start3A_550 = tpu.memref_slice %arg13[%run_scoped3A_385, %dma_start3A_549] : memref<8x64xi32, #tpu.memory_space<vmem>> -> memref<1x64xi32, #tpu.memory_space<vmem>>
        %dma_start3A_551 = tpu.memref_squeeze %dma_start3A_550 : memref<1x64xi32, #tpu.memory_space<vmem>> -> memref<64xi32, #tpu.memory_space<vmem>>
        %dma_start3A_552 = arith.constant 0 : i32
        %dma_start3A_553 = arith.constant 0 : i32
        %dma_start3A_554 = tpu.memref_slice %arg19[%dma_start3A_552, %dma_start3A_553] : memref<10240x128xf32, #tpu.memory_space<vmem_shared>> -> memref<10240x128xf32, #tpu.memory_space<vmem_shared>>
        tpu.enqueue_indirect_dma source(%arg14 : memref<64x128xf32, #tpu.memory_space<vmem>>) target(%dma_start3A_554 : memref<10240x128xf32, #tpu.memory_space<vmem_shared>>) offsets(%dma_start3A_551 : memref<64xi32, #tpu.memory_space<vmem>>) semaphore(%run_scoped3A_548 : memref<!tpu.dma_semaphore, #tpu.memory_space<semaphore_mem>>) {add = true}
        %dma_wait3A_555 = arith.constant 0 : i32
        %dma_wait3A_556 = tpu.memref_slice %arg13[%run_scoped3A_385, %dma_wait3A_555] : memref<8x64xi32, #tpu.memory_space<vmem>> -> memref<1x64xi32, #tpu.memory_space<vmem>>
        %dma_wait3A_557 = tpu.memref_squeeze %dma_wait3A_556 : memref<1x64xi32, #tpu.memory_space<vmem>> -> memref<64xi32, #tpu.memory_space<vmem>>
        %dma_wait3A_558 = arith.constant 0 : i32
        %dma_wait3A_559 = arith.constant 0 : i32
        %dma_wait3A_560 = tpu.memref_slice %arg19[%dma_wait3A_558, %dma_wait3A_559] : memref<10240x128xf32, #tpu.memory_space<vmem_shared>> -> memref<10240x128xf32, #tpu.memory_space<vmem_shared>>
        tpu.wait_indirect_dma semaphore(%run_scoped3A_548 : memref<!tpu.dma_semaphore, #tpu.memory_space<semaphore_mem>>) src(%arg14 : memref<64x128xf32, #tpu.memory_space<vmem>>) dst(%dma_wait3A_560 : memref<10240x128xf32, #tpu.memory_space<vmem_shared>>)
        tpu.yield
      }) : () -> ()
      %dma_start3A_386 = arith.constant 0 : i32
      %dma_start3A_387 = arith.constant 0 : i32
      %dma_start3A_388 = tpu.memref_slice %arg13[%dma_start3A_386, %dma_start3A_387] : memref<8x64xi32, #tpu.memory_space<vmem>> -> memref<1x64xi32, #tpu.memory_space<vmem>>
      %dma_start3A_389 = tpu.memref_squeeze %dma_start3A_388 : memref<1x64xi32, #tpu.memory_space<vmem>> -> memref<64xi32, #tpu.memory_space<vmem>>
      %dma_start3A_390 = arith.constant 0 : i32
      %dma_start3A_391 = tpu.memref_slice %arg20[%dma_start3A_390] : memref<10240xf32, #tpu.memory_space<vmem_shared>> -> memref<10240xf32, #tpu.memory_space<vmem_shared>>
      tpu.enqueue_indirect_dma source(%arg18 : memref<64xf32, #tpu.memory_space<vmem>>) target(%dma_start3A_391 : memref<10240xf32, #tpu.memory_space<vmem_shared>>) offsets(%dma_start3A_389 : memref<64xi32, #tpu.memory_space<vmem>>) semaphore(%arg29 : memref<!tpu.dma_semaphore, #tpu.memory_space<semaphore_mem>>) {add = true}
      %dma_start3A_392 = arith.constant 4 : i32
      %dma_start3A_393 = arith.constant 0 : i32
      %dma_start3A_394 = tpu.memref_slice %arg11[%dma_start3A_392, %dma_start3A_393] : memref<8x64xi32, #tpu.memory_space<vmem>> -> memref<1x64xi32, #tpu.memory_space<vmem>>
      %dma_start3A_395 = tpu.memref_squeeze %dma_start3A_394 : memref<1x64xi32, #tpu.memory_space<vmem>> -> memref<64xi32, #tpu.memory_space<vmem>>
      %dma_start3A_396 = arith.constant 0 : i32
      %dma_start3A_397 = arith.constant 0 : i32
      %dma_start3A_398 = tpu.memref_slice %arg2[%dma_start3A_396, %dma_start3A_397] : memref<10000x128xf32, #tpu.memory_space<hbm>> -> memref<10000x128xf32, #tpu.memory_space<hbm>>
      tpu.enqueue_indirect_dma source(%dma_start3A_398 : memref<10000x128xf32, #tpu.memory_space<hbm>>) target(%arg14 : memref<64x128xf32, #tpu.memory_space<vmem>>) offsets(%dma_start3A_395 : memref<64xi32, #tpu.memory_space<vmem>>) semaphore(%arg21 : memref<!tpu.dma_semaphore, #tpu.memory_space<semaphore_mem>>)
      %dma_wait3A_399 = arith.constant 0 : i32
      %dma_wait3A_400 = arith.constant 0 : i32
      %dma_wait3A_401 = tpu.memref_slice %arg10[%dma_wait3A_399, %dma_wait3A_400] : memref<8x64xi32, #tpu.memory_space<vmem>> -> memref<1x64xi32, #tpu.memory_space<vmem>>
      %dma_wait3A_402 = tpu.memref_squeeze %dma_wait3A_401 : memref<1x64xi32, #tpu.memory_space<vmem>> -> memref<64xi32, #tpu.memory_space<vmem>>
      %dma_wait3A_403 = arith.constant 0 : i32
      %dma_wait3A_404 = arith.constant 0 : i32
      %dma_wait3A_405 = tpu.memref_slice %arg2[%dma_wait3A_403, %dma_wait3A_404] : memref<10000x128xf32, #tpu.memory_space<hbm>> -> memref<10000x128xf32, #tpu.memory_space<hbm>>
      tpu.wait_indirect_dma semaphore(%arg22 : memref<!tpu.dma_semaphore, #tpu.memory_space<semaphore_mem>>) src(%dma_wait3A_405 : memref<10000x128xf32, #tpu.memory_space<hbm>>) dst(%arg15 : memref<64x128xf32, #tpu.memory_space<vmem>>)
      %run_scoped3A_406 = arith.constant 1 : i32
      "tpu.region"() ({
        %run_scoped3A_548 = tpu.sem_alloc : memref<!tpu.dma_semaphore, #tpu.memory_space<semaphore_mem>>
        %dma_start3A_549 = arith.constant 0 : i32
        %dma_start3A_550 = tpu.memref_slice %arg13[%run_scoped3A_406, %dma_start3A_549] : memref<8x64xi32, #tpu.memory_space<vmem>> -> memref<1x64xi32, #tpu.memory_space<vmem>>
        %dma_start3A_551 = tpu.memref_squeeze %dma_start3A_550 : memref<1x64xi32, #tpu.memory_space<vmem>> -> memref<64xi32, #tpu.memory_space<vmem>>
        %dma_start3A_552 = arith.constant 0 : i32
        %dma_start3A_553 = arith.constant 0 : i32
        %dma_start3A_554 = tpu.memref_slice %arg19[%dma_start3A_552, %dma_start3A_553] : memref<10240x128xf32, #tpu.memory_space<vmem_shared>> -> memref<10240x128xf32, #tpu.memory_space<vmem_shared>>
        tpu.enqueue_indirect_dma source(%arg15 : memref<64x128xf32, #tpu.memory_space<vmem>>) target(%dma_start3A_554 : memref<10240x128xf32, #tpu.memory_space<vmem_shared>>) offsets(%dma_start3A_551 : memref<64xi32, #tpu.memory_space<vmem>>) semaphore(%run_scoped3A_548 : memref<!tpu.dma_semaphore, #tpu.memory_space<semaphore_mem>>) {add = true}
        %dma_wait3A_555 = arith.constant 0 : i32
        %dma_wait3A_556 = tpu.memref_slice %arg13[%run_scoped3A_406, %dma_wait3A_555] : memref<8x64xi32, #tpu.memory_space<vmem>> -> memref<1x64xi32, #tpu.memory_space<vmem>>
        %dma_wait3A_557 = tpu.memref_squeeze %dma_wait3A_556 : memref<1x64xi32, #tpu.memory_space<vmem>> -> memref<64xi32, #tpu.memory_space<vmem>>
        %dma_wait3A_558 = arith.constant 0 : i32
        %dma_wait3A_559 = arith.constant 0 : i32
        %dma_wait3A_560 = tpu.memref_slice %arg19[%dma_wait3A_558, %dma_wait3A_559] : memref<10240x128xf32, #tpu.memory_space<vmem_shared>> -> memref<10240x128xf32, #tpu.memory_space<vmem_shared>>
        tpu.wait_indirect_dma semaphore(%run_scoped3A_548 : memref<!tpu.dma_semaphore, #tpu.memory_space<semaphore_mem>>) src(%arg15 : memref<64x128xf32, #tpu.memory_space<vmem>>) dst(%dma_wait3A_560 : memref<10240x128xf32, #tpu.memory_space<vmem_shared>>)
        tpu.yield
      }) : () -> ()
      %dma_start3A_407 = arith.constant 1 : i32
      %dma_start3A_408 = arith.constant 0 : i32
      %dma_start3A_409 = tpu.memref_slice %arg13[%dma_start3A_407, %dma_start3A_408] : memref<8x64xi32, #tpu.memory_space<vmem>> -> memref<1x64xi32, #tpu.memory_space<vmem>>
      %dma_start3A_410 = tpu.memref_squeeze %dma_start3A_409 : memref<1x64xi32, #tpu.memory_space<vmem>> -> memref<64xi32, #tpu.memory_space<vmem>>
      %dma_start3A_411 = arith.constant 0 : i32
      %dma_start3A_412 = tpu.memref_slice %arg20[%dma_start3A_411] : memref<10240xf32, #tpu.memory_space<vmem_shared>> -> memref<10240xf32, #tpu.memory_space<vmem_shared>>
      tpu.enqueue_indirect_dma source(%arg18 : memref<64xf32, #tpu.memory_space<vmem>>) target(%dma_start3A_412 : memref<10240xf32, #tpu.memory_space<vmem_shared>>) offsets(%dma_start3A_410 : memref<64xi32, #tpu.memory_space<vmem>>) semaphore(%arg29 : memref<!tpu.dma_semaphore, #tpu.memory_space<semaphore_mem>>) {add = true}
      %dma_start3A_413 = arith.constant 5 : i32
      %dma_start3A_414 = arith.constant 0 : i32
      %dma_start3A_415 = tpu.memref_slice %arg11[%dma_start3A_413, %dma_start3A_414] : memref<8x64xi32, #tpu.memory_space<vmem>> -> memref<1x64xi32, #tpu.memory_space<vmem>>
      %dma_start3A_416 = tpu.memref_squeeze %dma_start3A_415 : memref<1x64xi32, #tpu.memory_space<vmem>> -> memref<64xi32, #tpu.memory_space<vmem>>
      %dma_start3A_417 = arith.constant 0 : i32
      %dma_start3A_418 = arith.constant 0 : i32
      %dma_start3A_419 = tpu.memref_slice %arg2[%dma_start3A_417, %dma_start3A_418] : memref<10000x128xf32, #tpu.memory_space<hbm>> -> memref<10000x128xf32, #tpu.memory_space<hbm>>
      tpu.enqueue_indirect_dma source(%dma_start3A_419 : memref<10000x128xf32, #tpu.memory_space<hbm>>) target(%arg15 : memref<64x128xf32, #tpu.memory_space<vmem>>) offsets(%dma_start3A_416 : memref<64xi32, #tpu.memory_space<vmem>>) semaphore(%arg22 : memref<!tpu.dma_semaphore, #tpu.memory_space<semaphore_mem>>)
      %dma_wait3A_420 = arith.constant 0 : i32
      %dma_wait3A_421 = arith.constant 0 : i32
      %dma_wait3A_422 = tpu.memref_slice %arg10[%dma_wait3A_420, %dma_wait3A_421] : memref<8x64xi32, #tpu.memory_space<vmem>> -> memref<1x64xi32, #tpu.memory_space<vmem>>
      %dma_wait3A_423 = tpu.memref_squeeze %dma_wait3A_422 : memref<1x64xi32, #tpu.memory_space<vmem>> -> memref<64xi32, #tpu.memory_space<vmem>>
      %dma_wait3A_424 = arith.constant 0 : i32
      %dma_wait3A_425 = arith.constant 0 : i32
      %dma_wait3A_426 = tpu.memref_slice %arg2[%dma_wait3A_424, %dma_wait3A_425] : memref<10000x128xf32, #tpu.memory_space<hbm>> -> memref<10000x128xf32, #tpu.memory_space<hbm>>
      tpu.wait_indirect_dma semaphore(%arg23 : memref<!tpu.dma_semaphore, #tpu.memory_space<semaphore_mem>>) src(%dma_wait3A_426 : memref<10000x128xf32, #tpu.memory_space<hbm>>) dst(%arg16 : memref<64x128xf32, #tpu.memory_space<vmem>>)
      %run_scoped3A_427 = arith.constant 2 : i32
      "tpu.region"() ({
        %run_scoped3A_548 = tpu.sem_alloc : memref<!tpu.dma_semaphore, #tpu.memory_space<semaphore_mem>>
        %dma_start3A_549 = arith.constant 0 : i32
        %dma_start3A_550 = tpu.memref_slice %arg13[%run_scoped3A_427, %dma_start3A_549] : memref<8x64xi32, #tpu.memory_space<vmem>> -> memref<1x64xi32, #tpu.memory_space<vmem>>
        %dma_start3A_551 = tpu.memref_squeeze %dma_start3A_550 : memref<1x64xi32, #tpu.memory_space<vmem>> -> memref<64xi32, #tpu.memory_space<vmem>>
        %dma_start3A_552 = arith.constant 0 : i32
        %dma_start3A_553 = arith.constant 0 : i32
        %dma_start3A_554 = tpu.memref_slice %arg19[%dma_start3A_552, %dma_start3A_553] : memref<10240x128xf32, #tpu.memory_space<vmem_shared>> -> memref<10240x128xf32, #tpu.memory_space<vmem_shared>>
        tpu.enqueue_indirect_dma source(%arg16 : memref<64x128xf32, #tpu.memory_space<vmem>>) target(%dma_start3A_554 : memref<10240x128xf32, #tpu.memory_space<vmem_shared>>) offsets(%dma_start3A_551 : memref<64xi32, #tpu.memory_space<vmem>>) semaphore(%run_scoped3A_548 : memref<!tpu.dma_semaphore, #tpu.memory_space<semaphore_mem>>) {add = true}
        %dma_wait3A_555 = arith.constant 0 : i32
        %dma_wait3A_556 = tpu.memref_slice %arg13[%run_scoped3A_427, %dma_wait3A_555] : memref<8x64xi32, #tpu.memory_space<vmem>> -> memref<1x64xi32, #tpu.memory_space<vmem>>
        %dma_wait3A_557 = tpu.memref_squeeze %dma_wait3A_556 : memref<1x64xi32, #tpu.memory_space<vmem>> -> memref<64xi32, #tpu.memory_space<vmem>>
        %dma_wait3A_558 = arith.constant 0 : i32
        %dma_wait3A_559 = arith.constant 0 : i32
        %dma_wait3A_560 = tpu.memref_slice %arg19[%dma_wait3A_558, %dma_wait3A_559] : memref<10240x128xf32, #tpu.memory_space<vmem_shared>> -> memref<10240x128xf32, #tpu.memory_space<vmem_shared>>
        tpu.wait_indirect_dma semaphore(%run_scoped3A_548 : memref<!tpu.dma_semaphore, #tpu.memory_space<semaphore_mem>>) src(%arg16 : memref<64x128xf32, #tpu.memory_space<vmem>>) dst(%dma_wait3A_560 : memref<10240x128xf32, #tpu.memory_space<vmem_shared>>)
        tpu.yield
      }) : () -> ()
      %dma_start3A_428 = arith.constant 2 : i32
      %dma_start3A_429 = arith.constant 0 : i32
      %dma_start3A_430 = tpu.memref_slice %arg13[%dma_start3A_428, %dma_start3A_429] : memref<8x64xi32, #tpu.memory_space<vmem>> -> memref<1x64xi32, #tpu.memory_space<vmem>>
      %dma_start3A_431 = tpu.memref_squeeze %dma_start3A_430 : memref<1x64xi32, #tpu.memory_space<vmem>> -> memref<64xi32, #tpu.memory_space<vmem>>
      %dma_start3A_432 = arith.constant 0 : i32
      %dma_start3A_433 = tpu.memref_slice %arg20[%dma_start3A_432] : memref<10240xf32, #tpu.memory_space<vmem_shared>> -> memref<10240xf32, #tpu.memory_space<vmem_shared>>
      tpu.enqueue_indirect_dma source(%arg18 : memref<64xf32, #tpu.memory_space<vmem>>) target(%dma_start3A_433 : memref<10240xf32, #tpu.memory_space<vmem_shared>>) offsets(%dma_start3A_431 : memref<64xi32, #tpu.memory_space<vmem>>) semaphore(%arg29 : memref<!tpu.dma_semaphore, #tpu.memory_space<semaphore_mem>>) {add = true}
      %dma_start3A_434 = arith.constant 6 : i32
      %dma_start3A_435 = arith.constant 0 : i32
      %dma_start3A_436 = tpu.memref_slice %arg11[%dma_start3A_434, %dma_start3A_435] : memref<8x64xi32, #tpu.memory_space<vmem>> -> memref<1x64xi32, #tpu.memory_space<vmem>>
      %dma_start3A_437 = tpu.memref_squeeze %dma_start3A_436 : memref<1x64xi32, #tpu.memory_space<vmem>> -> memref<64xi32, #tpu.memory_space<vmem>>
      %dma_start3A_438 = arith.constant 0 : i32
      %dma_start3A_439 = arith.constant 0 : i32
      %dma_start3A_440 = tpu.memref_slice %arg2[%dma_start3A_438, %dma_start3A_439] : memref<10000x128xf32, #tpu.memory_space<hbm>> -> memref<10000x128xf32, #tpu.memory_space<hbm>>
      tpu.enqueue_indirect_dma source(%dma_start3A_440 : memref<10000x128xf32, #tpu.memory_space<hbm>>) target(%arg16 : memref<64x128xf32, #tpu.memory_space<vmem>>) offsets(%dma_start3A_437 : memref<64xi32, #tpu.memory_space<vmem>>) semaphore(%arg23 : memref<!tpu.dma_semaphore, #tpu.memory_space<semaphore_mem>>)
      %dma_wait3A_441 = arith.constant 0 : i32
      %dma_wait3A_442 = arith.constant 0 : i32
      %dma_wait3A_443 = tpu.memref_slice %arg10[%dma_wait3A_441, %dma_wait3A_442] : memref<8x64xi32, #tpu.memory_space<vmem>> -> memref<1x64xi32, #tpu.memory_space<vmem>>
      %dma_wait3A_444 = tpu.memref_squeeze %dma_wait3A_443 : memref<1x64xi32, #tpu.memory_space<vmem>> -> memref<64xi32, #tpu.memory_space<vmem>>
      %dma_wait3A_445 = arith.constant 0 : i32
      %dma_wait3A_446 = arith.constant 0 : i32
      %dma_wait3A_447 = tpu.memref_slice %arg2[%dma_wait3A_445, %dma_wait3A_446] : memref<10000x128xf32, #tpu.memory_space<hbm>> -> memref<10000x128xf32, #tpu.memory_space<hbm>>
      tpu.wait_indirect_dma semaphore(%arg24 : memref<!tpu.dma_semaphore, #tpu.memory_space<semaphore_mem>>) src(%dma_wait3A_447 : memref<10000x128xf32, #tpu.memory_space<hbm>>) dst(%arg17 : memref<64x128xf32, #tpu.memory_space<vmem>>)
      %run_scoped3A_448 = arith.constant 3 : i32
      "tpu.region"() ({
        %run_scoped3A_548 = tpu.sem_alloc : memref<!tpu.dma_semaphore, #tpu.memory_space<semaphore_mem>>
        %dma_start3A_549 = arith.constant 0 : i32
        %dma_start3A_550 = tpu.memref_slice %arg13[%run_scoped3A_448, %dma_start3A_549] : memref<8x64xi32, #tpu.memory_space<vmem>> -> memref<1x64xi32, #tpu.memory_space<vmem>>
        %dma_start3A_551 = tpu.memref_squeeze %dma_start3A_550 : memref<1x64xi32, #tpu.memory_space<vmem>> -> memref<64xi32, #tpu.memory_space<vmem>>
        %dma_start3A_552 = arith.constant 0 : i32
        %dma_start3A_553 = arith.constant 0 : i32
        %dma_start3A_554 = tpu.memref_slice %arg19[%dma_start3A_552, %dma_start3A_553] : memref<10240x128xf32, #tpu.memory_space<vmem_shared>> -> memref<10240x128xf32, #tpu.memory_space<vmem_shared>>
        tpu.enqueue_indirect_dma source(%arg17 : memref<64x128xf32, #tpu.memory_space<vmem>>) target(%dma_start3A_554 : memref<10240x128xf32, #tpu.memory_space<vmem_shared>>) offsets(%dma_start3A_551 : memref<64xi32, #tpu.memory_space<vmem>>) semaphore(%run_scoped3A_548 : memref<!tpu.dma_semaphore, #tpu.memory_space<semaphore_mem>>) {add = true}
        %dma_wait3A_555 = arith.constant 0 : i32
        %dma_wait3A_556 = tpu.memref_slice %arg13[%run_scoped3A_448, %dma_wait3A_555] : memref<8x64xi32, #tpu.memory_space<vmem>> -> memref<1x64xi32, #tpu.memory_space<vmem>>
        %dma_wait3A_557 = tpu.memref_squeeze %dma_wait3A_556 : memref<1x64xi32, #tpu.memory_space<vmem>> -> memref<64xi32, #tpu.memory_space<vmem>>
        %dma_wait3A_558 = arith.constant 0 : i32
        %dma_wait3A_559 = arith.constant 0 : i32
        %dma_wait3A_560 = tpu.memref_slice %arg19[%dma_wait3A_558, %dma_wait3A_559] : memref<10240x128xf32, #tpu.memory_space<vmem_shared>> -> memref<10240x128xf32, #tpu.memory_space<vmem_shared>>
        tpu.wait_indirect_dma semaphore(%run_scoped3A_548 : memref<!tpu.dma_semaphore, #tpu.memory_space<semaphore_mem>>) src(%arg17 : memref<64x128xf32, #tpu.memory_space<vmem>>) dst(%dma_wait3A_560 : memref<10240x128xf32, #tpu.memory_space<vmem_shared>>)
        tpu.yield
      }) : () -> ()
      %dma_start3A_449 = arith.constant 3 : i32
      %dma_start3A_450 = arith.constant 0 : i32
      %dma_start3A_451 = tpu.memref_slice %arg13[%dma_start3A_449, %dma_start3A_450] : memref<8x64xi32, #tpu.memory_space<vmem>> -> memref<1x64xi32, #tpu.memory_space<vmem>>
      %dma_start3A_452 = tpu.memref_squeeze %dma_start3A_451 : memref<1x64xi32, #tpu.memory_space<vmem>> -> memref<64xi32, #tpu.memory_space<vmem>>
      %dma_start3A_453 = arith.constant 0 : i32
      %dma_start3A_454 = tpu.memref_slice %arg20[%dma_start3A_453] : memref<10240xf32, #tpu.memory_space<vmem_shared>> -> memref<10240xf32, #tpu.memory_space<vmem_shared>>
      tpu.enqueue_indirect_dma source(%arg18 : memref<64xf32, #tpu.memory_space<vmem>>) target(%dma_start3A_454 : memref<10240xf32, #tpu.memory_space<vmem_shared>>) offsets(%dma_start3A_452 : memref<64xi32, #tpu.memory_space<vmem>>) semaphore(%arg29 : memref<!tpu.dma_semaphore, #tpu.memory_space<semaphore_mem>>) {add = true}
      %dma_start3A_455 = arith.constant 7 : i32
      %dma_start3A_456 = arith.constant 0 : i32
      %dma_start3A_457 = tpu.memref_slice %arg11[%dma_start3A_455, %dma_start3A_456] : memref<8x64xi32, #tpu.memory_space<vmem>> -> memref<1x64xi32, #tpu.memory_space<vmem>>
      %dma_start3A_458 = tpu.memref_squeeze %dma_start3A_457 : memref<1x64xi32, #tpu.memory_space<vmem>> -> memref<64xi32, #tpu.memory_space<vmem>>
      %dma_start3A_459 = arith.constant 0 : i32
      %dma_start3A_460 = arith.constant 0 : i32
      %dma_start3A_461 = tpu.memref_slice %arg2[%dma_start3A_459, %dma_start3A_460] : memref<10000x128xf32, #tpu.memory_space<hbm>> -> memref<10000x128xf32, #tpu.memory_space<hbm>>
      tpu.enqueue_indirect_dma source(%dma_start3A_461 : memref<10000x128xf32, #tpu.memory_space<hbm>>) target(%arg17 : memref<64x128xf32, #tpu.memory_space<vmem>>) offsets(%dma_start3A_458 : memref<64xi32, #tpu.memory_space<vmem>>) semaphore(%arg24 : memref<!tpu.dma_semaphore, #tpu.memory_space<semaphore_mem>>)
      %dma_wait3A_462 = arith.constant 0 : i32
      %dma_wait3A_463 = arith.constant 0 : i32
      %dma_wait3A_464 = tpu.memref_slice %arg10[%dma_wait3A_462, %dma_wait3A_463] : memref<8x64xi32, #tpu.memory_space<vmem>> -> memref<1x64xi32, #tpu.memory_space<vmem>>
      %dma_wait3A_465 = tpu.memref_squeeze %dma_wait3A_464 : memref<1x64xi32, #tpu.memory_space<vmem>> -> memref<64xi32, #tpu.memory_space<vmem>>
      %dma_wait3A_466 = arith.constant 0 : i32
      %dma_wait3A_467 = arith.constant 0 : i32
      %dma_wait3A_468 = tpu.memref_slice %arg2[%dma_wait3A_466, %dma_wait3A_467] : memref<10000x128xf32, #tpu.memory_space<hbm>> -> memref<10000x128xf32, #tpu.memory_space<hbm>>
      tpu.wait_indirect_dma semaphore(%arg21 : memref<!tpu.dma_semaphore, #tpu.memory_space<semaphore_mem>>) src(%dma_wait3A_468 : memref<10000x128xf32, #tpu.memory_space<hbm>>) dst(%arg14 : memref<64x128xf32, #tpu.memory_space<vmem>>)
      %run_scoped3A_469 = arith.constant 4 : i32
      "tpu.region"() ({
        %run_scoped3A_548 = tpu.sem_alloc : memref<!tpu.dma_semaphore, #tpu.memory_space<semaphore_mem>>
        %dma_start3A_549 = arith.constant 0 : i32
        %dma_start3A_550 = tpu.memref_slice %arg13[%run_scoped3A_469, %dma_start3A_549] : memref<8x64xi32, #tpu.memory_space<vmem>> -> memref<1x64xi32, #tpu.memory_space<vmem>>
        %dma_start3A_551 = tpu.memref_squeeze %dma_start3A_550 : memref<1x64xi32, #tpu.memory_space<vmem>> -> memref<64xi32, #tpu.memory_space<vmem>>
        %dma_start3A_552 = arith.constant 0 : i32
        %dma_start3A_553 = arith.constant 0 : i32
        %dma_start3A_554 = tpu.memref_slice %arg19[%dma_start3A_552, %dma_start3A_553] : memref<10240x128xf32, #tpu.memory_space<vmem_shared>> -> memref<10240x128xf32, #tpu.memory_space<vmem_shared>>
        tpu.enqueue_indirect_dma source(%arg14 : memref<64x128xf32, #tpu.memory_space<vmem>>) target(%dma_start3A_554 : memref<10240x128xf32, #tpu.memory_space<vmem_shared>>) offsets(%dma_start3A_551 : memref<64xi32, #tpu.memory_space<vmem>>) semaphore(%run_scoped3A_548 : memref<!tpu.dma_semaphore, #tpu.memory_space<semaphore_mem>>) {add = true}
        %dma_wait3A_555 = arith.constant 0 : i32
        %dma_wait3A_556 = tpu.memref_slice %arg13[%run_scoped3A_469, %dma_wait3A_555] : memref<8x64xi32, #tpu.memory_space<vmem>> -> memref<1x64xi32, #tpu.memory_space<vmem>>
        %dma_wait3A_557 = tpu.memref_squeeze %dma_wait3A_556 : memref<1x64xi32, #tpu.memory_space<vmem>> -> memref<64xi32, #tpu.memory_space<vmem>>
        %dma_wait3A_558 = arith.constant 0 : i32
        %dma_wait3A_559 = arith.constant 0 : i32
        %dma_wait3A_560 = tpu.memref_slice %arg19[%dma_wait3A_558, %dma_wait3A_559] : memref<10240x128xf32, #tpu.memory_space<vmem_shared>> -> memref<10240x128xf32, #tpu.memory_space<vmem_shared>>
        tpu.wait_indirect_dma semaphore(%run_scoped3A_548 : memref<!tpu.dma_semaphore, #tpu.memory_space<semaphore_mem>>) src(%arg14 : memref<64x128xf32, #tpu.memory_space<vmem>>) dst(%dma_wait3A_560 : memref<10240x128xf32, #tpu.memory_space<vmem_shared>>)
        tpu.yield
      }) : () -> ()
      %dma_start3A_470 = arith.constant 4 : i32
      %dma_start3A_471 = arith.constant 0 : i32
      %dma_start3A_472 = tpu.memref_slice %arg13[%dma_start3A_470, %dma_start3A_471] : memref<8x64xi32, #tpu.memory_space<vmem>> -> memref<1x64xi32, #tpu.memory_space<vmem>>
      %dma_start3A_473 = tpu.memref_squeeze %dma_start3A_472 : memref<1x64xi32, #tpu.memory_space<vmem>> -> memref<64xi32, #tpu.memory_space<vmem>>
      %dma_start3A_474 = arith.constant 0 : i32
      %dma_start3A_475 = tpu.memref_slice %arg20[%dma_start3A_474] : memref<10240xf32, #tpu.memory_space<vmem_shared>> -> memref<10240xf32, #tpu.memory_space<vmem_shared>>
      tpu.enqueue_indirect_dma source(%arg18 : memref<64xf32, #tpu.memory_space<vmem>>) target(%dma_start3A_475 : memref<10240xf32, #tpu.memory_space<vmem_shared>>) offsets(%dma_start3A_473 : memref<64xi32, #tpu.memory_space<vmem>>) semaphore(%arg29 : memref<!tpu.dma_semaphore, #tpu.memory_space<semaphore_mem>>) {add = true}
      %dma_wait3A_476 = arith.constant 0 : i32
      %dma_wait3A_477 = arith.constant 0 : i32
      %dma_wait3A_478 = arith.constant 0 : i32
      %dma_wait3A_479 = tpu.memref_slice %arg3[%dma_wait3A_476, %dma_wait3A_477, %dma_wait3A_478] : memref<32x160x64xi32, #tpu.memory_space<hbm>> -> memref<1x8x64xi32, #tpu.memory_space<hbm>>
      %dma_wait3A_480 = tpu.memref_squeeze %dma_wait3A_479 : memref<1x8x64xi32, #tpu.memory_space<hbm>> -> memref<8x64xi32, #tpu.memory_space<hbm>>
      %dma_wait3A_481 = arith.constant 0 : i32
      %dma_wait3A_482 = arith.constant 0 : i32
      %dma_wait3A_483 = tpu.memref_slice %arg3[%dma_wait3A_476, %dma_wait3A_481, %dma_wait3A_482] : memref<32x160x64xi32, #tpu.memory_space<hbm>> -> memref<1x8x64xi32, #tpu.memory_space<hbm>>
      %dma_wait3A_484 = tpu.memref_squeeze %dma_wait3A_483 : memref<1x8x64xi32, #tpu.memory_space<hbm>> -> memref<8x64xi32, #tpu.memory_space<hbm>>
      tpu.wait_dma2 semaphore(%arg25 : memref<!tpu.dma_semaphore, #tpu.memory_space<semaphore_mem>>) src(%dma_wait3A_484 : memref<8x64xi32, #tpu.memory_space<hbm>>) dst(%arg10 : memref<8x64xi32, #tpu.memory_space<vmem>>)
      %dma_wait3A_485 = arith.constant 0 : i32
      %dma_wait3A_486 = arith.constant 0 : i32
      %dma_wait3A_487 = arith.constant 0 : i32
      %dma_wait3A_488 = tpu.memref_slice %arg4[%dma_wait3A_485, %dma_wait3A_486, %dma_wait3A_487] : memref<32x160x64xi32, #tpu.memory_space<hbm>> -> memref<1x8x64xi32, #tpu.memory_space<hbm>>
      %dma_wait3A_489 = tpu.memref_squeeze %dma_wait3A_488 : memref<1x8x64xi32, #tpu.memory_space<hbm>> -> memref<8x64xi32, #tpu.memory_space<hbm>>
      %dma_wait3A_490 = arith.constant 0 : i32
      %dma_wait3A_491 = arith.constant 0 : i32
      %dma_wait3A_492 = tpu.memref_slice %arg4[%dma_wait3A_485, %dma_wait3A_490, %dma_wait3A_491] : memref<32x160x64xi32, #tpu.memory_space<hbm>> -> memref<1x8x64xi32, #tpu.memory_space<hbm>>
      %dma_wait3A_493 = tpu.memref_squeeze %dma_wait3A_492 : memref<1x8x64xi32, #tpu.memory_space<hbm>> -> memref<8x64xi32, #tpu.memory_space<hbm>>
      tpu.wait_dma2 semaphore(%arg27 : memref<!tpu.dma_semaphore, #tpu.memory_space<semaphore_mem>>) src(%dma_wait3A_493 : memref<8x64xi32, #tpu.memory_space<hbm>>) dst(%arg12 : memref<8x64xi32, #tpu.memory_space<vmem>>)
      %convert_element_type3A_494 = arith.extui %lt3A_352 : i1 to i32
      %cond3A_495 = arith.constant 0 : i32
      %cond3A_496 = arith.cmpi ne, %convert_element_type3A_494, %cond3A_495 : i32
      scf.if %cond3A_496 {
        %dma_start3A_548 = arith.constant 0 : i32
        %dma_start3A_549 = arith.constant 0 : i32
        %dma_start3A_550 = tpu.memref_slice %arg10[%dma_start3A_548, %dma_start3A_549] : memref<8x64xi32, #tpu.memory_space<vmem>> -> memref<1x64xi32, #tpu.memory_space<vmem>>
        %dma_start3A_551 = tpu.memref_squeeze %dma_start3A_550 : memref<1x64xi32, #tpu.memory_space<vmem>> -> memref<64xi32, #tpu.memory_space<vmem>>
        %dma_start3A_552 = arith.constant 0 : i32
        %dma_start3A_553 = arith.constant 0 : i32
        %dma_start3A_554 = tpu.memref_slice %arg2[%dma_start3A_552, %dma_start3A_553] : memref<10000x128xf32, #tpu.memory_space<hbm>> -> memref<10000x128xf32, #tpu.memory_space<hbm>>
        tpu.enqueue_indirect_dma source(%dma_start3A_554 : memref<10000x128xf32, #tpu.memory_space<hbm>>) target(%arg14 : memref<64x128xf32, #tpu.memory_space<vmem>>) offsets(%dma_start3A_551 : memref<64xi32, #tpu.memory_space<vmem>>) semaphore(%arg21 : memref<!tpu.dma_semaphore, #tpu.memory_space<semaphore_mem>>)
      } else {
      }
      %dma_wait3A_497 = arith.constant 0 : i32
      %dma_wait3A_498 = arith.constant 0 : i32
      %dma_wait3A_499 = tpu.memref_slice %arg10[%dma_wait3A_497, %dma_wait3A_498] : memref<8x64xi32, #tpu.memory_space<vmem>> -> memref<1x64xi32, #tpu.memory_space<vmem>>
      %dma_wait3A_500 = tpu.memref_squeeze %dma_wait3A_499 : memref<1x64xi32, #tpu.memory_space<vmem>> -> memref<64xi32, #tpu.memory_space<vmem>>
      %dma_wait3A_501 = arith.constant 0 : i32
      %dma_wait3A_502 = arith.constant 0 : i32
      %dma_wait3A_503 = tpu.memref_slice %arg2[%dma_wait3A_501, %dma_wait3A_502] : memref<10000x128xf32, #tpu.memory_space<hbm>> -> memref<10000x128xf32, #tpu.memory_space<hbm>>
      tpu.wait_indirect_dma semaphore(%arg22 : memref<!tpu.dma_semaphore, #tpu.memory_space<semaphore_mem>>) src(%dma_wait3A_503 : memref<10000x128xf32, #tpu.memory_space<hbm>>) dst(%arg15 : memref<64x128xf32, #tpu.memory_space<vmem>>)
      %run_scoped3A_504 = arith.constant 5 : i32
      "tpu.region"() ({
        %run_scoped3A_548 = tpu.sem_alloc : memref<!tpu.dma_semaphore, #tpu.memory_space<semaphore_mem>>
        %dma_start3A_549 = arith.constant 0 : i32
        %dma_start3A_550 = tpu.memref_slice %arg13[%run_scoped3A_504, %dma_start3A_549] : memref<8x64xi32, #tpu.memory_space<vmem>> -> memref<1x64xi32, #tpu.memory_space<vmem>>
        %dma_start3A_551 = tpu.memref_squeeze %dma_start3A_550 : memref<1x64xi32, #tpu.memory_space<vmem>> -> memref<64xi32, #tpu.memory_space<vmem>>
        %dma_start3A_552 = arith.constant 0 : i32
        %dma_start3A_553 = arith.constant 0 : i32
        %dma_start3A_554 = tpu.memref_slice %arg19[%dma_start3A_552, %dma_start3A_553] : memref<10240x128xf32, #tpu.memory_space<vmem_shared>> -> memref<10240x128xf32, #tpu.memory_space<vmem_shared>>
        tpu.enqueue_indirect_dma source(%arg15 : memref<64x128xf32, #tpu.memory_space<vmem>>) target(%dma_start3A_554 : memref<10240x128xf32, #tpu.memory_space<vmem_shared>>) offsets(%dma_start3A_551 : memref<64xi32, #tpu.memory_space<vmem>>) semaphore(%run_scoped3A_548 : memref<!tpu.dma_semaphore, #tpu.memory_space<semaphore_mem>>) {add = true}
        %dma_wait3A_555 = arith.constant 0 : i32
        %dma_wait3A_556 = tpu.memref_slice %arg13[%run_scoped3A_504, %dma_wait3A_555] : memref<8x64xi32, #tpu.memory_space<vmem>> -> memref<1x64xi32, #tpu.memory_space<vmem>>
        %dma_wait3A_557 = tpu.memref_squeeze %dma_wait3A_556 : memref<1x64xi32, #tpu.memory_space<vmem>> -> memref<64xi32, #tpu.memory_space<vmem>>
        %dma_wait3A_558 = arith.constant 0 : i32
        %dma_wait3A_559 = arith.constant 0 : i32
        %dma_wait3A_560 = tpu.memref_slice %arg19[%dma_wait3A_558, %dma_wait3A_559] : memref<10240x128xf32, #tpu.memory_space<vmem_shared>> -> memref<10240x128xf32, #tpu.memory_space<vmem_shared>>
        tpu.wait_indirect_dma semaphore(%run_scoped3A_548 : memref<!tpu.dma_semaphore, #tpu.memory_space<semaphore_mem>>) src(%arg15 : memref<64x128xf32, #tpu.memory_space<vmem>>) dst(%dma_wait3A_560 : memref<10240x128xf32, #tpu.memory_space<vmem_shared>>)
        tpu.yield
      }) : () -> ()
      %dma_start3A_505 = arith.constant 5 : i32
      %dma_start3A_506 = arith.constant 0 : i32
      %dma_start3A_507 = tpu.memref_slice %arg13[%dma_start3A_505, %dma_start3A_506] : memref<8x64xi32, #tpu.memory_space<vmem>> -> memref<1x64xi32, #tpu.memory_space<vmem>>
      %dma_start3A_508 = tpu.memref_squeeze %dma_start3A_507 : memref<1x64xi32, #tpu.memory_space<vmem>> -> memref<64xi32, #tpu.memory_space<vmem>>
      %dma_start3A_509 = arith.constant 0 : i32
      %dma_start3A_510 = tpu.memref_slice %arg20[%dma_start3A_509] : memref<10240xf32, #tpu.memory_space<vmem_shared>> -> memref<10240xf32, #tpu.memory_space<vmem_shared>>
      tpu.enqueue_indirect_dma source(%arg18 : memref<64xf32, #tpu.memory_space<vmem>>) target(%dma_start3A_510 : memref<10240xf32, #tpu.memory_space<vmem_shared>>) offsets(%dma_start3A_508 : memref<64xi32, #tpu.memory_space<vmem>>) semaphore(%arg29 : memref<!tpu.dma_semaphore, #tpu.memory_space<semaphore_mem>>) {add = true}
      %convert_element_type3A_511 = arith.extui %lt3A_352 : i1 to i32
      %cond3A_512 = arith.constant 0 : i32
      %cond3A_513 = arith.cmpi ne, %convert_element_type3A_511, %cond3A_512 : i32
      scf.if %cond3A_513 {
        %dma_start3A_548 = arith.constant 1 : i32
        %dma_start3A_549 = arith.constant 0 : i32
        %dma_start3A_550 = tpu.memref_slice %arg10[%dma_start3A_548, %dma_start3A_549] : memref<8x64xi32, #tpu.memory_space<vmem>> -> memref<1x64xi32, #tpu.memory_space<vmem>>
        %dma_start3A_551 = tpu.memref_squeeze %dma_start3A_550 : memref<1x64xi32, #tpu.memory_space<vmem>> -> memref<64xi32, #tpu.memory_space<vmem>>
        %dma_start3A_552 = arith.constant 0 : i32
        %dma_start3A_553 = arith.constant 0 : i32
        %dma_start3A_554 = tpu.memref_slice %arg2[%dma_start3A_552, %dma_start3A_553] : memref<10000x128xf32, #tpu.memory_space<hbm>> -> memref<10000x128xf32, #tpu.memory_space<hbm>>
        tpu.enqueue_indirect_dma source(%dma_start3A_554 : memref<10000x128xf32, #tpu.memory_space<hbm>>) target(%arg15 : memref<64x128xf32, #tpu.memory_space<vmem>>) offsets(%dma_start3A_551 : memref<64xi32, #tpu.memory_space<vmem>>) semaphore(%arg22 : memref<!tpu.dma_semaphore, #tpu.memory_space<semaphore_mem>>)
      } else {
      }
      %dma_wait3A_514 = arith.constant 0 : i32
      %dma_wait3A_515 = arith.constant 0 : i32
      %dma_wait3A_516 = tpu.memref_slice %arg10[%dma_wait3A_514, %dma_wait3A_515] : memref<8x64xi32, #tpu.memory_space<vmem>> -> memref<1x64xi32, #tpu.memory_space<vmem>>
      %dma_wait3A_517 = tpu.memref_squeeze %dma_wait3A_516 : memref<1x64xi32, #tpu.memory_space<vmem>> -> memref<64xi32, #tpu.memory_space<vmem>>
      %dma_wait3A_518 = arith.constant 0 : i32
      %dma_wait3A_519 = arith.constant 0 : i32
      %dma_wait3A_520 = tpu.memref_slice %arg2[%dma_wait3A_518, %dma_wait3A_519] : memref<10000x128xf32, #tpu.memory_space<hbm>> -> memref<10000x128xf32, #tpu.memory_space<hbm>>
      tpu.wait_indirect_dma semaphore(%arg23 : memref<!tpu.dma_semaphore, #tpu.memory_space<semaphore_mem>>) src(%dma_wait3A_520 : memref<10000x128xf32, #tpu.memory_space<hbm>>) dst(%arg16 : memref<64x128xf32, #tpu.memory_space<vmem>>)
      %run_scoped3A_521 = arith.constant 6 : i32
      "tpu.region"() ({
        %run_scoped3A_548 = tpu.sem_alloc : memref<!tpu.dma_semaphore, #tpu.memory_space<semaphore_mem>>
        %dma_start3A_549 = arith.constant 0 : i32
        %dma_start3A_550 = tpu.memref_slice %arg13[%run_scoped3A_521, %dma_start3A_549] : memref<8x64xi32, #tpu.memory_space<vmem>> -> memref<1x64xi32, #tpu.memory_space<vmem>>
        %dma_start3A_551 = tpu.memref_squeeze %dma_start3A_550 : memref<1x64xi32, #tpu.memory_space<vmem>> -> memref<64xi32, #tpu.memory_space<vmem>>
        %dma_start3A_552 = arith.constant 0 : i32
        %dma_start3A_553 = arith.constant 0 : i32
        %dma_start3A_554 = tpu.memref_slice %arg19[%dma_start3A_552, %dma_start3A_553] : memref<10240x128xf32, #tpu.memory_space<vmem_shared>> -> memref<10240x128xf32, #tpu.memory_space<vmem_shared>>
        tpu.enqueue_indirect_dma source(%arg16 : memref<64x128xf32, #tpu.memory_space<vmem>>) target(%dma_start3A_554 : memref<10240x128xf32, #tpu.memory_space<vmem_shared>>) offsets(%dma_start3A_551 : memref<64xi32, #tpu.memory_space<vmem>>) semaphore(%run_scoped3A_548 : memref<!tpu.dma_semaphore, #tpu.memory_space<semaphore_mem>>) {add = true}
        %dma_wait3A_555 = arith.constant 0 : i32
        %dma_wait3A_556 = tpu.memref_slice %arg13[%run_scoped3A_521, %dma_wait3A_555] : memref<8x64xi32, #tpu.memory_space<vmem>> -> memref<1x64xi32, #tpu.memory_space<vmem>>
        %dma_wait3A_557 = tpu.memref_squeeze %dma_wait3A_556 : memref<1x64xi32, #tpu.memory_space<vmem>> -> memref<64xi32, #tpu.memory_space<vmem>>
        %dma_wait3A_558 = arith.constant 0 : i32
        %dma_wait3A_559 = arith.constant 0 : i32
        %dma_wait3A_560 = tpu.memref_slice %arg19[%dma_wait3A_558, %dma_wait3A_559] : memref<10240x128xf32, #tpu.memory_space<vmem_shared>> -> memref<10240x128xf32, #tpu.memory_space<vmem_shared>>
        tpu.wait_indirect_dma semaphore(%run_scoped3A_548 : memref<!tpu.dma_semaphore, #tpu.memory_space<semaphore_mem>>) src(%arg16 : memref<64x128xf32, #tpu.memory_space<vmem>>) dst(%dma_wait3A_560 : memref<10240x128xf32, #tpu.memory_space<vmem_shared>>)
        tpu.yield
      }) : () -> ()
      %dma_start3A_522 = arith.constant 6 : i32
      %dma_start3A_523 = arith.constant 0 : i32
      %dma_start3A_524 = tpu.memref_slice %arg13[%dma_start3A_522, %dma_start3A_523] : memref<8x64xi32, #tpu.memory_space<vmem>> -> memref<1x64xi32, #tpu.memory_space<vmem>>
      %dma_start3A_525 = tpu.memref_squeeze %dma_start3A_524 : memref<1x64xi32, #tpu.memory_space<vmem>> -> memref<64xi32, #tpu.memory_space<vmem>>
      %dma_start3A_526 = arith.constant 0 : i32
      %dma_start3A_527 = tpu.memref_slice %arg20[%dma_start3A_526] : memref<10240xf32, #tpu.memory_space<vmem_shared>> -> memref<10240xf32, #tpu.memory_space<vmem_shared>>
      tpu.enqueue_indirect_dma source(%arg18 : memref<64xf32, #tpu.memory_space<vmem>>) target(%dma_start3A_527 : memref<10240xf32, #tpu.memory_space<vmem_shared>>) offsets(%dma_start3A_525 : memref<64xi32, #tpu.memory_space<vmem>>) semaphore(%arg29 : memref<!tpu.dma_semaphore, #tpu.memory_space<semaphore_mem>>) {add = true}
      %convert_element_type3A_528 = arith.extui %lt3A_352 : i1 to i32
      %cond3A_529 = arith.constant 0 : i32
      %cond3A_530 = arith.cmpi ne, %convert_element_type3A_528, %cond3A_529 : i32
      scf.if %cond3A_530 {
        %dma_start3A_548 = arith.constant 2 : i32
        %dma_start3A_549 = arith.constant 0 : i32
        %dma_start3A_550 = tpu.memref_slice %arg10[%dma_start3A_548, %dma_start3A_549] : memref<8x64xi32, #tpu.memory_space<vmem>> -> memref<1x64xi32, #tpu.memory_space<vmem>>
        %dma_start3A_551 = tpu.memref_squeeze %dma_start3A_550 : memref<1x64xi32, #tpu.memory_space<vmem>> -> memref<64xi32, #tpu.memory_space<vmem>>
        %dma_start3A_552 = arith.constant 0 : i32
        %dma_start3A_553 = arith.constant 0 : i32
        %dma_start3A_554 = tpu.memref_slice %arg2[%dma_start3A_552, %dma_start3A_553] : memref<10000x128xf32, #tpu.memory_space<hbm>> -> memref<10000x128xf32, #tpu.memory_space<hbm>>
        tpu.enqueue_indirect_dma source(%dma_start3A_554 : memref<10000x128xf32, #tpu.memory_space<hbm>>) target(%arg16 : memref<64x128xf32, #tpu.memory_space<vmem>>) offsets(%dma_start3A_551 : memref<64xi32, #tpu.memory_space<vmem>>) semaphore(%arg23 : memref<!tpu.dma_semaphore, #tpu.memory_space<semaphore_mem>>)
      } else {
      }
      %dma_wait3A_531 = arith.constant 0 : i32
      %dma_wait3A_532 = arith.constant 0 : i32
      %dma_wait3A_533 = tpu.memref_slice %arg10[%dma_wait3A_531, %dma_wait3A_532] : memref<8x64xi32, #tpu.memory_space<vmem>> -> memref<1x64xi32, #tpu.memory_space<vmem>>
      %dma_wait3A_534 = tpu.memref_squeeze %dma_wait3A_533 : memref<1x64xi32, #tpu.memory_space<vmem>> -> memref<64xi32, #tpu.memory_space<vmem>>
      %dma_wait3A_535 = arith.constant 0 : i32
      %dma_wait3A_536 = arith.constant 0 : i32
      %dma_wait3A_537 = tpu.memref_slice %arg2[%dma_wait3A_535, %dma_wait3A_536] : memref<10000x128xf32, #tpu.memory_space<hbm>> -> memref<10000x128xf32, #tpu.memory_space<hbm>>
      tpu.wait_indirect_dma semaphore(%arg24 : memref<!tpu.dma_semaphore, #tpu.memory_space<semaphore_mem>>) src(%dma_wait3A_537 : memref<10000x128xf32, #tpu.memory_space<hbm>>) dst(%arg17 : memref<64x128xf32, #tpu.memory_space<vmem>>)
      %run_scoped3A_538 = arith.constant 7 : i32
      "tpu.region"() ({
        %run_scoped3A_548 = tpu.sem_alloc : memref<!tpu.dma_semaphore, #tpu.memory_space<semaphore_mem>>
        %dma_start3A_549 = arith.constant 0 : i32
        %dma_start3A_550 = tpu.memref_slice %arg13[%run_scoped3A_538, %dma_start3A_549] : memref<8x64xi32, #tpu.memory_space<vmem>> -> memref<1x64xi32, #tpu.memory_space<vmem>>
        %dma_start3A_551 = tpu.memref_squeeze %dma_start3A_550 : memref<1x64xi32, #tpu.memory_space<vmem>> -> memref<64xi32, #tpu.memory_space<vmem>>
        %dma_start3A_552 = arith.constant 0 : i32
        %dma_start3A_553 = arith.constant 0 : i32
        %dma_start3A_554 = tpu.memref_slice %arg19[%dma_start3A_552, %dma_start3A_553] : memref<10240x128xf32, #tpu.memory_space<vmem_shared>> -> memref<10240x128xf32, #tpu.memory_space<vmem_shared>>
        tpu.enqueue_indirect_dma source(%arg17 : memref<64x128xf32, #tpu.memory_space<vmem>>) target(%dma_start3A_554 : memref<10240x128xf32, #tpu.memory_space<vmem_shared>>) offsets(%dma_start3A_551 : memref<64xi32, #tpu.memory_space<vmem>>) semaphore(%run_scoped3A_548 : memref<!tpu.dma_semaphore, #tpu.memory_space<semaphore_mem>>) {add = true}
        %dma_wait3A_555 = arith.constant 0 : i32
        %dma_wait3A_556 = tpu.memref_slice %arg13[%run_scoped3A_538, %dma_wait3A_555] : memref<8x64xi32, #tpu.memory_space<vmem>> -> memref<1x64xi32, #tpu.memory_space<vmem>>
        %dma_wait3A_557 = tpu.memref_squeeze %dma_wait3A_556 : memref<1x64xi32, #tpu.memory_space<vmem>> -> memref<64xi32, #tpu.memory_space<vmem>>
        %dma_wait3A_558 = arith.constant 0 : i32
        %dma_wait3A_559 = arith.constant 0 : i32
        %dma_wait3A_560 = tpu.memref_slice %arg19[%dma_wait3A_558, %dma_wait3A_559] : memref<10240x128xf32, #tpu.memory_space<vmem_shared>> -> memref<10240x128xf32, #tpu.memory_space<vmem_shared>>
        tpu.wait_indirect_dma semaphore(%run_scoped3A_548 : memref<!tpu.dma_semaphore, #tpu.memory_space<semaphore_mem>>) src(%arg17 : memref<64x128xf32, #tpu.memory_space<vmem>>) dst(%dma_wait3A_560 : memref<10240x128xf32, #tpu.memory_space<vmem_shared>>)
        tpu.yield
      }) : () -> ()
      %dma_start3A_539 = arith.constant 7 : i32
      %dma_start3A_540 = arith.constant 0 : i32
      %dma_start3A_541 = tpu.memref_slice %arg13[%dma_start3A_539, %dma_start3A_540] : memref<8x64xi32, #tpu.memory_space<vmem>> -> memref<1x64xi32, #tpu.memory_space<vmem>>
      %dma_start3A_542 = tpu.memref_squeeze %dma_start3A_541 : memref<1x64xi32, #tpu.memory_space<vmem>> -> memref<64xi32, #tpu.memory_space<vmem>>
      %dma_start3A_543 = arith.constant 0 : i32
      %dma_start3A_544 = tpu.memref_slice %arg20[%dma_start3A_543] : memref<10240xf32, #tpu.memory_space<vmem_shared>> -> memref<10240xf32, #tpu.memory_space<vmem_shared>>
      tpu.enqueue_indirect_dma source(%arg18 : memref<64xf32, #tpu.memory_space<vmem>>) target(%dma_start3A_544 : memref<10240xf32, #tpu.memory_space<vmem_shared>>) offsets(%dma_start3A_542 : memref<64xi32, #tpu.memory_space<vmem>>) semaphore(%arg29 : memref<!tpu.dma_semaphore, #tpu.memory_space<semaphore_mem>>) {add = true}
      %convert_element_type3A_545 = arith.extui %lt3A_352 : i1 to i32
      %cond3A_546 = arith.constant 0 : i32
      %cond3A_547 = arith.cmpi ne, %convert_element_type3A_545, %cond3A_546 : i32
      scf.if %cond3A_547 {
        %dma_start3A_548 = arith.constant 3 : i32
        %dma_start3A_549 = arith.constant 0 : i32
        %dma_start3A_550 = tpu.memref_slice %arg10[%dma_start3A_548, %dma_start3A_549] : memref<8x64xi32, #tpu.memory_space<vmem>> -> memref<1x64xi32, #tpu.memory_space<vmem>>
        %dma_start3A_551 = tpu.memref_squeeze %dma_start3A_550 : memref<1x64xi32, #tpu.memory_space<vmem>> -> memref<64xi32, #tpu.memory_space<vmem>>
        %dma_start3A_552 = arith.constant 0 : i32
        %dma_start3A_553 = arith.constant 0 : i32
        %dma_start3A_554 = tpu.memref_slice %arg2[%dma_start3A_552, %dma_start3A_553] : memref<10000x128xf32, #tpu.memory_space<hbm>> -> memref<10000x128xf32, #tpu.memory_space<hbm>>
        tpu.enqueue_indirect_dma source(%dma_start3A_554 : memref<10000x128xf32, #tpu.memory_space<hbm>>) target(%arg17 : memref<64x128xf32, #tpu.memory_space<vmem>>) offsets(%dma_start3A_551 : memref<64xi32, #tpu.memory_space<vmem>>) semaphore(%arg24 : memref<!tpu.dma_semaphore, #tpu.memory_space<semaphore_mem>>)
      } else {
      }
    }
    %scan3A_78 = arith.constant 10 : i32
    %dma_wait3A_79 = arith.constant 0 : i32
    %dma_wait3A_80 = arith.constant 0 : i32
    %dma_wait3A_81 = tpu.memref_slice %arg12[%dma_wait3A_79, %dma_wait3A_80] : memref<8x64xi32, #tpu.memory_space<vmem>> -> memref<1x64xi32, #tpu.memory_space<vmem>>
    %dma_wait3A_82 = tpu.memref_squeeze %dma_wait3A_81 : memref<1x64xi32, #tpu.memory_space<vmem>> -> memref<64xi32, #tpu.memory_space<vmem>>
    %dma_wait3A_83 = arith.constant 0 : i32
    %dma_wait3A_84 = tpu.memref_slice %arg20[%dma_wait3A_83] : memref<10240xf32, #tpu.memory_space<vmem_shared>> -> memref<10240xf32, #tpu.memory_space<vmem_shared>>
    tpu.wait_indirect_dma semaphore(%arg29 : memref<!tpu.dma_semaphore, #tpu.memory_space<semaphore_mem>>) src(%arg18 : memref<64xf32, #tpu.memory_space<vmem>>) dst(%dma_wait3A_84 : memref<10240xf32, #tpu.memory_space<vmem_shared>>)
    %dma_wait3A_85 = arith.constant 0 : i32
    %dma_wait3A_86 = arith.constant 0 : i32
    %dma_wait3A_87 = tpu.memref_slice %arg12[%dma_wait3A_85, %dma_wait3A_86] : memref<8x64xi32, #tpu.memory_space<vmem>> -> memref<1x64xi32, #tpu.memory_space<vmem>>
    %dma_wait3A_88 = tpu.memref_squeeze %dma_wait3A_87 : memref<1x64xi32, #tpu.memory_space<vmem>> -> memref<64xi32, #tpu.memory_space<vmem>>
    %dma_wait3A_89 = arith.constant 0 : i32
    %dma_wait3A_90 = tpu.memref_slice %arg20[%dma_wait3A_89] : memref<10240xf32, #tpu.memory_space<vmem_shared>> -> memref<10240xf32, #tpu.memory_space<vmem_shared>>
    tpu.wait_indirect_dma semaphore(%arg29 : memref<!tpu.dma_semaphore, #tpu.memory_space<semaphore_mem>>) src(%arg18 : memref<64xf32, #tpu.memory_space<vmem>>) dst(%dma_wait3A_90 : memref<10240xf32, #tpu.memory_space<vmem_shared>>)
    %dma_wait3A_91 = arith.constant 0 : i32
    %dma_wait3A_92 = arith.constant 0 : i32
    %dma_wait3A_93 = tpu.memref_slice %arg12[%dma_wait3A_91, %dma_wait3A_92] : memref<8x64xi32, #tpu.memory_space<vmem>> -> memref<1x64xi32, #tpu.memory_space<vmem>>
    %dma_wait3A_94 = tpu.memref_squeeze %dma_wait3A_93 : memref<1x64xi32, #tpu.memory_space<vmem>> -> memref<64xi32, #tpu.memory_space<vmem>>
    %dma_wait3A_95 = arith.constant 0 : i32
    %dma_wait3A_96 = tpu.memref_slice %arg20[%dma_wait3A_95] : memref<10240xf32, #tpu.memory_space<vmem_shared>> -> memref<10240xf32, #tpu.memory_space<vmem_shared>>
    tpu.wait_indirect_dma semaphore(%arg29 : memref<!tpu.dma_semaphore, #tpu.memory_space<semaphore_mem>>) src(%arg18 : memref<64xf32, #tpu.memory_space<vmem>>) dst(%dma_wait3A_96 : memref<10240xf32, #tpu.memory_space<vmem_shared>>)
    %dma_wait3A_97 = arith.constant 0 : i32
    %dma_wait3A_98 = arith.constant 0 : i32
    %dma_wait3A_99 = tpu.memref_slice %arg12[%dma_wait3A_97, %dma_wait3A_98] : memref<8x64xi32, #tpu.memory_space<vmem>> -> memref<1x64xi32, #tpu.memory_space<vmem>>
    %dma_wait3A_100 = tpu.memref_squeeze %dma_wait3A_99 : memref<1x64xi32, #tpu.memory_space<vmem>> -> memref<64xi32, #tpu.memory_space<vmem>>
    %dma_wait3A_101 = arith.constant 0 : i32
    %dma_wait3A_102 = tpu.memref_slice %arg20[%dma_wait3A_101] : memref<10240xf32, #tpu.memory_space<vmem_shared>> -> memref<10240xf32, #tpu.memory_space<vmem_shared>>
    tpu.wait_indirect_dma semaphore(%arg29 : memref<!tpu.dma_semaphore, #tpu.memory_space<semaphore_mem>>) src(%arg18 : memref<64xf32, #tpu.memory_space<vmem>>) dst(%dma_wait3A_102 : memref<10240xf32, #tpu.memory_space<vmem_shared>>)
    %dma_wait3A_103 = arith.constant 0 : i32
    %dma_wait3A_104 = arith.constant 0 : i32
    %dma_wait3A_105 = tpu.memref_slice %arg12[%dma_wait3A_103, %dma_wait3A_104] : memref<8x64xi32, #tpu.memory_space<vmem>> -> memref<1x64xi32, #tpu.memory_space<vmem>>
    %dma_wait3A_106 = tpu.memref_squeeze %dma_wait3A_105 : memref<1x64xi32, #tpu.memory_space<vmem>> -> memref<64xi32, #tpu.memory_space<vmem>>
    %dma_wait3A_107 = arith.constant 0 : i32
    %dma_wait3A_108 = tpu.memref_slice %arg20[%dma_wait3A_107] : memref<10240xf32, #tpu.memory_space<vmem_shared>> -> memref<10240xf32, #tpu.memory_space<vmem_shared>>
    tpu.wait_indirect_dma semaphore(%arg29 : memref<!tpu.dma_semaphore, #tpu.memory_space<semaphore_mem>>) src(%arg18 : memref<64xf32, #tpu.memory_space<vmem>>) dst(%dma_wait3A_108 : memref<10240xf32, #tpu.memory_space<vmem_shared>>)
    %dma_wait3A_109 = arith.constant 0 : i32
    %dma_wait3A_110 = arith.constant 0 : i32
    %dma_wait3A_111 = tpu.memref_slice %arg12[%dma_wait3A_109, %dma_wait3A_110] : memref<8x64xi32, #tpu.memory_space<vmem>> -> memref<1x64xi32, #tpu.memory_space<vmem>>
    %dma_wait3A_112 = tpu.memref_squeeze %dma_wait3A_111 : memref<1x64xi32, #tpu.memory_space<vmem>> -> memref<64xi32, #tpu.memory_space<vmem>>
    %dma_wait3A_113 = arith.constant 0 : i32
    %dma_wait3A_114 = tpu.memref_slice %arg20[%dma_wait3A_113] : memref<10240xf32, #tpu.memory_space<vmem_shared>> -> memref<10240xf32, #tpu.memory_space<vmem_shared>>
    tpu.wait_indirect_dma semaphore(%arg29 : memref<!tpu.dma_semaphore, #tpu.memory_space<semaphore_mem>>) src(%arg18 : memref<64xf32, #tpu.memory_space<vmem>>) dst(%dma_wait3A_114 : memref<10240xf32, #tpu.memory_space<vmem_shared>>)
    %dma_wait3A_115 = arith.constant 0 : i32
    %dma_wait3A_116 = arith.constant 0 : i32
    %dma_wait3A_117 = tpu.memref_slice %arg12[%dma_wait3A_115, %dma_wait3A_116] : memref<8x64xi32, #tpu.memory_space<vmem>> -> memref<1x64xi32, #tpu.memory_space<vmem>>
    %dma_wait3A_118 = tpu.memref_squeeze %dma_wait3A_117 : memref<1x64xi32, #tpu.memory_space<vmem>> -> memref<64xi32, #tpu.memory_space<vmem>>
    %dma_wait3A_119 = arith.constant 0 : i32
    %dma_wait3A_120 = tpu.memref_slice %arg20[%dma_wait3A_119] : memref<10240xf32, #tpu.memory_space<vmem_shared>> -> memref<10240xf32, #tpu.memory_space<vmem_shared>>
    tpu.wait_indirect_dma semaphore(%arg29 : memref<!tpu.dma_semaphore, #tpu.memory_space<semaphore_mem>>) src(%arg18 : memref<64xf32, #tpu.memory_space<vmem>>) dst(%dma_wait3A_120 : memref<10240xf32, #tpu.memory_space<vmem_shared>>)
    %dma_wait3A_121 = arith.constant 0 : i32
    %dma_wait3A_122 = arith.constant 0 : i32
    %dma_wait3A_123 = tpu.memref_slice %arg12[%dma_wait3A_121, %dma_wait3A_122] : memref<8x64xi32, #tpu.memory_space<vmem>> -> memref<1x64xi32, #tpu.memory_space<vmem>>
    %dma_wait3A_124 = tpu.memref_squeeze %dma_wait3A_123 : memref<1x64xi32, #tpu.memory_space<vmem>> -> memref<64xi32, #tpu.memory_space<vmem>>
    %dma_wait3A_125 = arith.constant 0 : i32
    %dma_wait3A_126 = tpu.memref_slice %arg20[%dma_wait3A_125] : memref<10240xf32, #tpu.memory_space<vmem_shared>> -> memref<10240xf32, #tpu.memory_space<vmem_shared>>
    tpu.wait_indirect_dma semaphore(%arg29 : memref<!tpu.dma_semaphore, #tpu.memory_space<semaphore_mem>>) src(%arg18 : memref<64xf32, #tpu.memory_space<vmem>>) dst(%dma_wait3A_126 : memref<10240xf32, #tpu.memory_space<vmem_shared>>)
    %barrier3A_127 = arith.constant 0 : index
    tpu.barrier barrier_id(%barrier3A_127)
    "tpu.region"() ({
      %run_scoped3A = tpu.sem_alloc : memref<!tpu.dma_semaphore, #tpu.memory_space<semaphore_mem>>
      %dma_start3A_133 = arith.constant 0 : i32
      %dma_start3A_134 = tpu.memref_slice %arg8[%arg0, %mul3A_2, %dma_start3A_133] : memref<2x10240x128xf32, #tpu.memory_space<hbm>> -> memref<1x640x128xf32, #tpu.memory_space<hbm>>
      %dma_start3A_135 = tpu.memref_squeeze %dma_start3A_134 : memref<1x640x128xf32, #tpu.memory_space<hbm>> -> memref<640x128xf32, #tpu.memory_space<hbm>>
      %dma_start3A_136 = arith.constant 0 : i32
      %dma_start3A_137 = tpu.memref_slice %arg19[%mul3A_2, %dma_start3A_136] : memref<10240x128xf32, #tpu.memory_space<vmem_shared>> -> memref<640x128xf32, #tpu.memory_space<vmem_shared>>
      tpu.enqueue_dma source(%dma_start3A_137 : memref<640x128xf32, #tpu.memory_space<vmem_shared>>) target(%dma_start3A_135 : memref<640x128xf32, #tpu.memory_space<hbm>>) target_semaphore(%run_scoped3A : memref<!tpu.dma_semaphore, #tpu.memory_space<semaphore_mem>>)
      %dma_wait3A_138 = arith.constant 0 : i32
      %dma_wait3A_139 = tpu.memref_slice %arg8[%arg0, %mul3A_2, %dma_wait3A_138] : memref<2x10240x128xf32, #tpu.memory_space<hbm>> -> memref<1x640x128xf32, #tpu.memory_space<hbm>>
      %dma_wait3A_140 = tpu.memref_squeeze %dma_wait3A_139 : memref<1x640x128xf32, #tpu.memory_space<hbm>> -> memref<640x128xf32, #tpu.memory_space<hbm>>
      %dma_wait3A_141 = arith.constant 0 : i32
      %dma_wait3A_142 = tpu.memref_slice %arg19[%mul3A_2, %dma_wait3A_141] : memref<10240x128xf32, #tpu.memory_space<vmem_shared>> -> memref<640x128xf32, #tpu.memory_space<vmem_shared>>
      tpu.wait_dma2 semaphore(%run_scoped3A : memref<!tpu.dma_semaphore, #tpu.memory_space<semaphore_mem>>) src(%dma_wait3A_142 : memref<640x128xf32, #tpu.memory_space<vmem_shared>>) dst(%dma_wait3A_140 : memref<640x128xf32, #tpu.memory_space<hbm>>)
      tpu.yield
    }) : () -> ()
    %eq3A_128 = arith.constant 0 : i32
    %eq3A_129 = arith.cmpi eq, %arg1, %eq3A_128 : i32
    %convert_element_type3A_130 = arith.extui %eq3A_129 : i1 to i32
    %cond3A_131 = arith.constant 0 : i32
    %cond3A_132 = arith.cmpi ne, %convert_element_type3A_130, %cond3A_131 : i32
    scf.if %cond3A_132 {
      "tpu.region"() ({
        %run_scoped3A = tpu.sem_alloc : memref<!tpu.dma_semaphore, #tpu.memory_space<semaphore_mem>>
        %dma_start3A_133 = arith.constant 0 : i32
        %dma_start3A_134 = tpu.memref_slice %arg9[%arg0, %dma_start3A_133] : memref<2x10240xf32, #tpu.memory_space<hbm>> -> memref<1x10240xf32, #tpu.memory_space<hbm>>
        %dma_start3A_135 = tpu.memref_squeeze %dma_start3A_134 : memref<1x10240xf32, #tpu.memory_space<hbm>> -> memref<10240xf32, #tpu.memory_space<hbm>>
        tpu.enqueue_dma source(%arg20 : memref<10240xf32, #tpu.memory_space<vmem_shared>>) target(%dma_start3A_135 : memref<10240xf32, #tpu.memory_space<hbm>>) target_semaphore(%run_scoped3A : memref<!tpu.dma_semaphore, #tpu.memory_space<semaphore_mem>>)
        %dma_wait3A_136 = arith.constant 0 : i32
        %dma_wait3A_137 = tpu.memref_slice %arg9[%arg0, %dma_wait3A_136] : memref<2x10240xf32, #tpu.memory_space<hbm>> -> memref<1x10240xf32, #tpu.memory_space<hbm>>
        %dma_wait3A_138 = tpu.memref_squeeze %dma_wait3A_137 : memref<1x10240xf32, #tpu.memory_space<hbm>> -> memref<10240xf32, #tpu.memory_space<hbm>>
        tpu.wait_dma2 semaphore(%run_scoped3A : memref<!tpu.dma_semaphore, #tpu.memory_space<semaphore_mem>>) src(%arg20 : memref<10240xf32, #tpu.memory_space<vmem_shared>>) dst(%dma_wait3A_138 : memref<10240xf32, #tpu.memory_space<hbm>>)
        tpu.yield
      }) : () -> ()
    } else {
    }
    return
  }
}

module attributes {stable_mosaic.version = 14 : i64} {
  func.func @_tc_body(%arg0: i32, %arg1: memref<2000x128xf32, #tpu.memory_space<vmem>>, %arg2: memref<2000x128xf32, #tpu.memory_space<vmem>>, %arg3: memref<2000x128xf32, #tpu.memory_space<vmem>>, %arg4: memref<2000x1xf32, #tpu.memory_space<vmem>>, %arg5: memref<2000x1xf32, #tpu.memory_space<vmem>>, %arg6: memref<128x128xf32, #tpu.memory_space<vmem>>, %arg7: memref<128x128xf32, #tpu.memory_space<vmem>>, %arg8: memref<1x128xf32, #tpu.memory_space<vmem>>, %arg9: memref<2000x128xf32, #tpu.memory_space<vmem>>) attributes {dimension_semantics = [#tpu.dimension_semantics<arbitrary>], iteration_bounds = array<i64: 5>, scalar_prefetch = 0 : i64, scratch_operands = 0 : i64, tpu.core_type = #tpu.core_type<tc>, window_params = [{transform_indices = @transform_0, window_bounds = array<i64: 2000, 128>}, {transform_indices = @transform_1, window_bounds = array<i64: 2000, 128>}, {transform_indices = @transform_2, window_bounds = array<i64: 2000, 128>}, {transform_indices = @transform_3, window_bounds = array<i64: 2000, 1>}, {transform_indices = @transform_4, window_bounds = array<i64: 2000, 1>}, {pipeline_mode = #tpu.pipeline_mode<synchronous>, transform_indices = @transform_5, window_bounds = array<i64: 128, 128>}, {pipeline_mode = #tpu.pipeline_mode<synchronous>, transform_indices = @transform_6, window_bounds = array<i64: 128, 128>}, {pipeline_mode = #tpu.pipeline_mode<synchronous>, transform_indices = @transform_7, window_bounds = array<i64: 1, 128>}, {transform_indices = @transform_8, window_bounds = array<i64: 2000, 128>}]} {
    %get3A = arith.constant 0 : index
    %get3A_0 = arith.constant 0 : index
    %get3A_1 = vector.load %arg4[%get3A, %get3A_0] : memref<2000x1xf32, #tpu.memory_space<vmem>>, vector<2000x1xf32>
    %get3A_2 = arith.constant 0 : index
    %get3A_3 = arith.constant 0 : index
    %get3A_4 = vector.load %arg5[%get3A_2, %get3A_3] : memref<2000x1xf32, #tpu.memory_space<vmem>>, vector<2000x1xf32>
    %add3A = arith.addf %get3A_1, %get3A_4 : vector<2000x1xf32>
    %max3A = arith.constant 1.000000e+00 : f32
    %max3A_5 = vector.broadcast %max3A : f32 to vector<2000x1xf32>
    %max3A_6 = arith.maximumf %add3A, %max3A_5 : vector<2000x1xf32>
    %div3A = arith.constant 1.000000e+00 : f32
    %div3A_7 = vector.broadcast %div3A : f32 to vector<2000x1xf32>
    %div3A_8 = arith.divf %div3A_7, %max3A_6 : vector<2000x1xf32>
    %get3A_9 = arith.constant 0 : index
    %get3A_10 = arith.constant 0 : index
    %get3A_11 = vector.load %arg2[%get3A_9, %get3A_10] : memref<2000x128xf32, #tpu.memory_space<vmem>>, vector<2000x128xf32>
    %get3A_12 = arith.constant 0 : index
    %get3A_13 = arith.constant 0 : index
    %get3A_14 = vector.load %arg3[%get3A_12, %get3A_13] : memref<2000x128xf32, #tpu.memory_space<vmem>>, vector<2000x128xf32>
    %add3A_15 = arith.addf %get3A_11, %get3A_14 : vector<2000x128xf32>
    %mul3A = vector.broadcast %div3A_8 : vector<2000x1xf32> to vector<2000x128xf32>
    %mul3A_16 = arith.mulf %add3A_15, %mul3A : vector<2000x128xf32>
    %get3A_17 = arith.constant 0 : index
    %get3A_18 = arith.constant 0 : index
    %get3A_19 = vector.load %arg1[%get3A_17, %get3A_18] : memref<2000x128xf32, #tpu.memory_space<vmem>>, vector<2000x128xf32>
    %get3A_20 = arith.constant 0 : index
    %get3A_21 = arith.constant 0 : index
    %get3A_22 = vector.load %arg6[%get3A_20, %get3A_21] : memref<128x128xf32, #tpu.memory_space<vmem>>, vector<128x128xf32>
    %dot_general3A = arith.constant dense<0.000000e+00> : vector<2000x128xf32>
    %dot_general3A_23 = tpu.matmul %mul3A_16, %get3A_22, %dot_general3A {dimension_numbers = #tpu.dot_dimension_numbers<[1], [0], [0], [1], [0, 0, 1, 1], [], []>, transpose_lhs_hint = false} : vector<2000x128xf32>, vector<128x128xf32>, vector<2000x128xf32> -> vector<2000x128xf32>
    %get3A_24 = arith.constant 0 : index
    %get3A_25 = arith.constant 0 : index
    %get3A_26 = vector.load %arg8[%get3A_24, %get3A_25] : memref<1x128xf32, #tpu.memory_space<vmem>>, vector<1x128xf32>
    %add3A_27 = vector.broadcast %get3A_26 : vector<1x128xf32> to vector<2000x128xf32>
    %add3A_28 = arith.addf %dot_general3A_23, %add3A_27 : vector<2000x128xf32>
    %get3A_29 = arith.constant 0 : index
    %get3A_30 = arith.constant 0 : index
    %get3A_31 = vector.load %arg7[%get3A_29, %get3A_30] : memref<128x128xf32, #tpu.memory_space<vmem>>, vector<128x128xf32>
    %dot_general3A_32 = arith.constant dense<0.000000e+00> : vector<2000x128xf32>
    %dot_general3A_33 = tpu.matmul %get3A_19, %get3A_31, %dot_general3A_32 {dimension_numbers = #tpu.dot_dimension_numbers<[1], [0], [0], [1], [0, 0, 1, 1], [], []>, transpose_lhs_hint = false} : vector<2000x128xf32>, vector<128x128xf32>, vector<2000x128xf32> -> vector<2000x128xf32>
    %add3A_34 = arith.addf %add3A_28, %dot_general3A_33 : vector<2000x128xf32>
    %add3A_35 = arith.addf %get3A_19, %add3A_34 : vector<2000x128xf32>
    %mul3A_36 = arith.constant 5.000000e-01 : f32
    %mul3A_37 = vector.broadcast %mul3A_36 : f32 to vector<2000x128xf32>
    %mul3A_38 = arith.mulf %mul3A_37, %add3A_35 : vector<2000x128xf32>
    %swap3A = arith.constant 0 : index
    %swap3A_39 = arith.constant 0 : index
    %swap3A_40 = vector.load %arg9[%swap3A, %swap3A_39] : memref<2000x128xf32, #tpu.memory_space<vmem>>, vector<2000x128xf32>
    tpu.vector_store %arg9[%swap3A, %swap3A_39], %mul3A_38 {strides = array<i32>} : memref<2000x128xf32, #tpu.memory_space<vmem>>, vector<2000x128xf32>,
    return
  }
  func.func @transform_0(%arg0: i32) -> (i32, i32) {
    %c0_i32 = arith.constant 0 : i32
    %c0_i32_0 = arith.constant 0 : i32
    return %arg0, %c0_i32 : i32, i32
  }
  func.func @transform_1(%arg0: i32) -> (i32, i32) {
    %c0_i32 = arith.constant 0 : i32
    %c0_i32_0 = arith.constant 0 : i32
    return %arg0, %c0_i32 : i32, i32
  }
  func.func @transform_2(%arg0: i32) -> (i32, i32) {
    %c0_i32 = arith.constant 0 : i32
    %c0_i32_0 = arith.constant 0 : i32
    return %arg0, %c0_i32 : i32, i32
  }
  func.func @transform_3(%arg0: i32) -> (i32, i32) {
    %c0_i32 = arith.constant 0 : i32
    %c0_i32_0 = arith.constant 0 : i32
    return %arg0, %c0_i32 : i32, i32
  }
  func.func @transform_4(%arg0: i32) -> (i32, i32) {
    %c0_i32 = arith.constant 0 : i32
    %c0_i32_0 = arith.constant 0 : i32
    return %arg0, %c0_i32 : i32, i32
  }
  func.func @transform_5(%arg0: i32) -> (i32, i32) {
    %c0_i32 = arith.constant 0 : i32
    %c0_i32_0 = arith.constant 0 : i32
    %c0_i32_1 = arith.constant 0 : i32
    return %c0_i32, %c0_i32_0 : i32, i32
  }
  func.func @transform_6(%arg0: i32) -> (i32, i32) {
    %c0_i32 = arith.constant 0 : i32
    %c0_i32_0 = arith.constant 0 : i32
    %c0_i32_1 = arith.constant 0 : i32
    return %c0_i32, %c0_i32_0 : i32, i32
  }
  func.func @transform_7(%arg0: i32) -> (i32, i32) {
    %c0_i32 = arith.constant 0 : i32
    %c0_i32_0 = arith.constant 0 : i32
    %c0_i32_1 = arith.constant 0 : i32
    return %c0_i32, %c0_i32_0 : i32, i32
  }
  func.func @transform_8(%arg0: i32) -> (i32, i32) {
    %c0_i32 = arith.constant 0 : i32
    %c0_i32_0 = arith.constant 0 : i32
    return %arg0, %c0_i32 : i32, i32
  }
}

</mosaic_0001>

<sc_bundles>
// kernel: sage_scatter_sc.3.cloned.1.call-start
scs
__scs_entry_jumppad:
0x0: {  	(pc) =	sbr.rel $0x88, $3  }
0x1: {  	(tag) =	ssettag $0x0;
	lr =	simm.s32 $0x1  }
0x2: {  	[smem:$0x3F9C] =	sst lr;
	_ =	strace $0xD0000000  }
0x3: {  	_ = 	snop  }
0x4: {  	_ = 	snop  }
0x5: {  	_ = 	snop  }
0x6: {  	_ = 	snop  }
0x7: {  	_ = 	snop  }
__scs_overlays_trampoline_lowered:
0x8: {  	[smem:$0x3FAB] =	sst s0  }
0x9: {  	[smem:$0x3FAC] =	sst s1  }
0xa: {  	[smem:$0x3FAD] =	sst s2  }
0xb: {  	[smem:$0x3FAE] =	sst s3  }
0xc: {  	[smem:$0x3FAF] =	sst s4  }
0xd: {  	[smem:$0x3FB0] =	sst s5  }
0xe: {  	[smem:$0x3FB1] =	sst s6  }
0xf: {  	[smem:$0x3FB2] =	sst s7  }
0x10: {  	[smem:$0x3FB3] =	sst s8  }
0x11: {  	[smem:$0x3FB4] =	sst s9;
	s0 =	simm.s32 @!p0 $0x0  }
0x12: {  	s1 =	sld [smem:$0x3F9A];
	s0 =	simm.s32 @p0 $0x1  }
0x13: {  	[smem:$0x3FB5] =	sst s0;
	s0 =	simm.s32 @!p1 $0x0  }
0x14: {  	s2 =	sld [smem:$0x3F99];
	s0 =	simm.s32 @p1 $0x1  }
0x15: {  	[smem:$0x3FB6] =	sst s0;
	s0 =	simm.s32 @!p2 $0x0  }
0x16: {  	s3 =	sld [smem:$0x3FDB];
	s0 =	simm.s32 @p2 $0x1  }
0x17: {  	s4 =	simm.s32 $0x1BF5;
	[smem:$0x3FB8] =	sst s0  }
0x18: {  	s0 =	sld [smem:$0x3F9B];
	_ =	swait.ge [sflag:s4], $0x0  }
0x19: {  	s7 =	sld [smem:$0x3F9C]  }
0x1a: {  	s8 =	sadd.s32 $0xFFFFE003, lr  }
0x1b: {  	s9 =	sadd.s32 $0xFFFFFEF7, lr;
	s5 =	simm.s32 $0xFFFFFFFF;
	p2 =	slt.u32 s8, $0xFFFFF086  }
0x1c: {  	p1 =	slt.u32 s9, $0xF7A;
	s5 =	simm.s32 @!p2 $0x0  }
0x1d: {  	s5 =	simm.s32 @p1 $0x1;
	p0 =	seq.s32 s7, s2  }
0x1e: {  	s7 =	smul.u32 @!p0 $0xF7A, s2;
	p2 =	seq.s32 @!p0 s5, $0x0  }
0x1f: {  	s9 =	smul.u32 $0xF7A, s1;
	s8 =	simm.s32 @!p0 $0x1BF5;
	p2 =	por !p2, p0  }
0x20: {  	[sflag:s8] =	ssyncset.s32 @!p0 $0xFFFFF086;
	s6 =	sadd.s32 @!p0 s3, s7;
	s7 =	simm.s32 @!p0 $0x108  }
0x21: {  	s3 =	sadd.s32 s3, s9;
	s6 =	sadd.s32 @!p0 $0x88, s6;
	s7 =	simm.s32 @p2 $0x1082  }
0x22: {  	[simem:s7], [sflag:s8] =	dma.local @!p0 [hbm:s6], $0xF7A  }
0x23: {  	s9 =	sor.u32 $0xD0000000, s2;
	s6 =	simm.s32 $0x108;
	_ =	swait.ge @!p0 [sflag:s8], $0x0  }
0x24: {  	s3 =	sadd.s32 $0x88, s3;
	s6 =	simm.s32 @!p1 $0x1082;
	[sflag:s4] =	ssyncset.s32 $0xFFFFF086  }
0x25: {  	[simem:s6], [sflag:s4] =	dma.local [hbm:s3], $0xF7A  }
0x26: {  	[smem:$0x3F9C] =	sst s1;
	(tag) =	ssettag s2;
	_ =	strace s9  }
0x27: {  	s1 =	sld [smem:$0x3FAC]  }
0x28: {  	s2 =	sld [smem:$0x3FAD]  }
0x29: {  	s4 =	sld [smem:$0x3FAF]  }
0x2a: {  	p0 =	seq.s32 s5, $0x0;
	s5 =	sld [smem:$0x3FB0]  }
0x2b: {  	s6 =	sld [smem:$0x3FB1]  }
0x2c: {  	s7 =	sld [smem:$0x3FB2]  }
0x2d: {  	s3 =	simm.s32 $0x108;
	s8 =	sld [smem:$0x3FB3]  }
0x2e: {  	s3 =	simm.s32 @!p0 $0x1082;
	s9 =	sld [smem:$0x3FB4]  }
0x2f: {  	lr =	sadd.s32 s0, s3;
	s0 =	sld [smem:$0x3FAB]  }
0x30: {  	s3 =	sld [smem:$0x3FAE]  }
0x31: {  	[smem:$0x3FB7] =	sst s10  }
0x32: {  	s10 =	sld [smem:$0x3FB5];
	_ =	sdelay $0x3  }
0x33: {  	p0 =	seq.s32 s10, $0x1;
	s10 =	sld [smem:$0x3FB7];
	_ =	sdelay $0x3  }
0x34: {  	[smem:$0x3FB7] =	sst s10  }
0x35: {  	s10 =	sld [smem:$0x3FB6];
	_ =	sdelay $0x3  }
0x36: {  	p1 =	seq.s32 s10, $0x1;
	s10 =	sld [smem:$0x3FB7];
	_ =	sdelay $0x3  }
0x37: {  	[smem:$0x3FB7] =	sst s10  }
0x38: {  	s10 =	sld [smem:$0x3FB8]  }
0x39: {  	_ = 	snop;
	(pc) =	sbr.ind lr, $3  }
0x3a: {  	_ = 	snop  }
0x3b: {  	_ = 	snop  }
0x3c: {  	p2 =	seq.s32 s10, $0x1;
	s10 =	sld [smem:$0x3FB7]  }
0x3d: {  	_ =	shalt  }
0x3e: {  	_ =	shalt  }
0x3f: {  	_ =	shalt  }
0x40: {  	_ =	shalt  }
0x41: {  	_ =	shalt  }
0x42: {  	_ =	shalt  }
0x43: {  	_ =	shalt  }
0x44: {  	_ =	shalt  }
0x45: {  	_ =	shalt  }
0x46: {  	_ =	shalt  }
0x47: {  	_ =	shalt  }
0x48: {  	_ =	shalt  }
0x49: {  	_ =	shalt  }
0x4a: {  	_ =	shalt  }
0x4b: {  	_ =	shalt  }
0x4c: {  	_ =	shalt  }
0x4d: {  	_ =	shalt  }
0x4e: {  	_ =	shalt  }
0x4f: {  	_ =	shalt  }
0x50: {  	_ =	shalt  }
0x51: {  	_ =	shalt  }
0x52: {  	_ =	shalt  }
0x53: {  	_ =	shalt  }
0x54: {  	_ =	shalt  }
0x55: {  	_ =	shalt  }
0x56: {  	_ =	shalt  }
0x57: {  	_ =	shalt  }
0x58: {  	_ =	shalt  }
0x59: {  	_ =	shalt  }
0x5a: {  	_ =	shalt  }
0x5b: {  	_ =	shalt  }
0x5c: {  	_ =	shalt  }
0x5d: {  	_ =	shalt  }
0x5e: {  	_ =	shalt  }
0x5f: {  	_ =	shalt  }
0x60: {  	_ =	shalt  }
0x61: {  	_ =	shalt  }
0x62: {  	_ =	shalt  }
0x63: {  	_ =	shalt  }
0x64: {  	_ =	shalt  }
0x65: {  	_ =	shalt  }
0x66: {  	_ =	shalt  }
0x67: {  	_ =	shalt  }
0x68: {  	_ =	shalt  }
0x69: {  	_ =	shalt  }
0x6a: {  	_ =	shalt  }
0x6b: {  	_ =	shalt  }
0x6c: {  	_ =	shalt  }
0x6d: {  	_ =	shalt  }
0x6e: {  	_ =	shalt  }
0x6f: {  	_ =	shalt  }
0x70: {  	_ =	shalt  }
0x71: {  	_ =	shalt  }
0x72: {  	_ =	shalt  }
0x73: {  	_ =	shalt  }
0x74: {  	_ =	shalt  }
0x75: {  	_ =	shalt  }
0x76: {  	_ =	shalt  }
0x77: {  	_ =	shalt  }
0x78: {  	_ =	shalt  }
0x79: {  	_ =	shalt  }
0x7a: {  	_ =	shalt  }
0x7b: {  	_ =	shalt  }
0x7c: {  	_ =	shalt  }
0x7d: {  	_ =	shalt  }
0x7e: {  	_ =	shalt  }
0x7f: {  	_ =	shalt  }
0x80: {  	_ =	shalt  }
0x81: {  	_ =	shalt  }
0x82: {  	_ =	shalt  }
0x83: {  	_ =	shalt  }
0x84: {  	_ =	shalt  }
0x85: {  	_ =	shalt  }
0x86: {  	_ =	shalt  }
0x87: {  	_ =	shalt  }
.Lfunc_end0:
.L_simem_size_0:
called_computation_lowered:
.L_overlay_start_0:
0x88: {  	s2 =	sld [smem:$0x3FD9]  }
0x89: {  	s3 =	sld [smem:$0x3FFE];
	_ =	sdelay $0x1  }
0x8a: {  	s1 =	srdreg.scid  }
0x8b: {  	s0 =	sand.u32 $0x1, s1  }
0x8c: {  	s17 =	sshll.u32 s0, $0xA;
	s2 =	sadd.s32 s3, s2  }
0x8d: {  	s2 =	sadd.s32 s2, s17  }
0x8e: {  	[smem:$0x3FC3] =	sst s2  }
0x8f: {  	_ = 	snop  }
0x90: {  	s2 =	sld [smem:$0x3FC9]  }
0x91: {  	s18 =	sld [smem:$0x3FD0];
	(tm) =	ssettm $0x1  }
0x92: {  	s4 =	sld [smem:$0x3FFB];
	_ =	sdelay $0x3  }
0x93: {  	_ =	strace s4  }
0x94: {  	s4 =	sld [smem:$0x3FFC];
	_ =	sdelay $0x3  }
0x95: {  	_ =	strace s4  }
0x96: {  	s4 =	sld [smem:$0x3FFD];
	_ =	sdelay $0x3  }
0x97: {  	_ =	strace s4  }
0x98: {  	_ =	strace $0x8FFFFFFF  }
0x99: {  	s19 =	sld [smem:$0x3FDB];
	_ =	sdelay $0x1  }
0x9a: {  	s5 =	simm.s32 $_scs_section_size  }
0x9b: {  	s6 =	simm.s32 $_size__tile_overlayer_lowered;
	s7 =	simm.s32 $_tile_overlayer_lowered  }
0x9c: {  	s22 =	simm.s32 $0x1BFF;
	s21 =	sshll.u32 s7, $0x1;
	s4 =	sadd.s32 s5, s19  }
0x9d: {  	s8 =	simm.s32 $0x0;
	s20 =	sshll.u32 s6, $0x1;
	s6 =	sadd.s32 s21, s4  }
0x9e: {  	[timem:s8], [sflag:s22] =	dma.local [hbm:s6], s20  }
0x9f: {  	_ =	swait.ge [sflag:s22], s20  }
0xa0: {  	s5 =	ssub.s32 $0x0, s20;
	[sflag:s22] =	ssyncset.done $0x0  }
0xa1: {  	[sflag:s22] =	ssyncadd.s32 s5;
	_ =	sdelay $0x1  }
0xa2: {  	s23 =	simm.s32 $0x1B8B  }
0xa3: {  	_ =	swait.ge [sflag:s23], $0x1  }
0xa4: {  	[sflag:s23] =	ssyncset.done $0x0  }
0xa5: {  	s25 =	simm.s32 $0x1B8E;
	s24 =	sld [smem:$0x3FFE];
	[sflag:s23] =	ssyncadd.s32 $0xFFFFFFFF  }
0xa6: {  	s26 =	simm.s32 $execute0_lowered;
	[smem:$0x3FD2] =	sst s25  }
0xa7: {  	s6 =	sshll.u32 s26, $0x1;
	_ =	strace $0x80000046;
	[dreg:$0x1] =	wrdreg $0xFFFFFFFF  }
0xa8: {  	s28 =	simm.s32 $_size_execute0_lowered;
	s4 =	sadd.s32 s4, s6;
	[dreg:$0x0] =	wrdreg $0x0  }
0xa9: {  	s6 =	sshll.u32 s28, $0x1;
	[dreg:$0x2] =	wrdreg s4  }
0xaa: {  	[dreg:$0x3] =	wrdreg s6  }
0xab: {  	[dreg:$0x4] =	wrdreg $0xC0  }
0xac: {  	_ =	task [dreg:s8], $0x5FFFF  }
0xad: {  	[dreg:$0x1] =	wrdreg $0xFFFFFFFF  }
0xae: {  	[dreg:$0x0] =	wrdreg $0x60  }
0xaf: {  	[dreg:$0x2] =	wrdreg s2  }
0xb0: {  	[dreg:$0x3] =	wrdreg s18  }
0xb1: {  	[dreg:$0x4] =	wrdreg s24  }
0xb2: {  	[dreg:$0x5] =	wrdreg $0x90800  }
0xb3: {  	[dreg:$0x6] =	wrdreg $0x1D0800  }
0xb4: {  	[dreg:$0x7] =	wrdreg $0x9  }
0xb5: {  	_ =	task.clear_ibuf [dreg:s8], $0x8FFFF;
	_ =	strace $0x90000046  }
0xb6: {  	s29 =	simm.s32 $0x9;
	_ =	strace $0x80000048  }
0xb7: {  	_ =	swait.ge [sflag:s29], $0x1  }
0xb8: {  	[sflag:s29] =	ssyncadd.s32 $0xFFFFFFFF  }
0xb9: {  	_ =	strace $0x90000048  }
0xba: {  	_ =	sfence  }
0xbb: {  	s30 =	sld [smem:$0x0];
	_ =	sdelay $0x2  }
0xbc: {  	s31 =	sshll.u32 s1, $0xD;
	s1 =	sshrl.u32 s1, $0x2  }
0xbd: {  	s3 =	sand.u32 $0x4000, s31;
	s1 =	sadd.s32 s1, s30  }
0xbe: {  	s0 =	sor.u32 s3, s0;
	s1 =	sshll.u32 s1, $0x11  }
0xbf: {  	s0 =	sor.u32 s1, s0  }
0xc0: {  	s0 =	sadd.s32 $0x8F2B, s0  }
0xc1: {  	[sflag:s0] =	ssyncadd.remote.s32 $0x1  }
0xc2: {  	_ =	sfence.sel $0xFFFF  }
0xc3: {  	[dreg:$0x0] =	wrdreg $0xFFFFFFFF;
	(pc) =	sbr.abs _section_cstart, $3  }
0xc4: {  	[dreg:$0x1] =	wrdreg $0xFFFFFFFF  }
0xc5: {  	_ =	task.clear_ibuf [dreg:s8], $0x2FFFF;
	_ =	strace $0x9FFFFFFF  }
0xc6: {  	(tm) =	ssettm $0x7FFFFFFF  }
0xc7: {  	_ =	shalt  }
tec
execute0_lowered:
.L_overlay_start_1:
0x0: {  	(tag) =	ssettag $0x1  }
0x1: {  	s0 =	rddreg [dreg:$0x0]  }
0x2: {  	s17 =	rddreg [dreg:$0x1]  }
0x3: {  	s1 =	rddreg [dreg:$0x2]  }
0x4: {  	s2 =	rddreg [dreg:$0x3]  }
0x5: {  	s3 =	srdreg.scid;
	s4 =	rddreg [dreg:$0x4]  }
0x6: {  	s18 =	stileid.u32;
	s6 =	simm.s32 $0x0;
	s29 =	simm.s32 $0x2  }
0x7: {  	s28 =	simm.s32 $0x8;
	s3 =	sand.u32 $0x1, s3;
	s7 =	smul.u32 $0x14000, s18  }
0x8: {  	[smem:$0x7FF] =	sst s6;
	s19 =	sadd.s32 $0x1400, s1;
	s22 =	sadd.s32 $0x15800, s1  }
0x9: {  	s23 =	sadd.s32 $0x15600, s1;
	s24 =	sadd.s32 $0x15400, s1;
	s9 =	smul.u32 $0x50000, s18  }
0xa: {  	s8 =	sshll.u32 s18, $0x1;
	s30 =	smul.u32 $0xA000, s18;
	s14 =	sadd.s32 $0x400, s4  }
0xb: {  	s15 =	sadd.s32 $0x800, s4;
	_ =	strace $0x80000047;
	[dreg:$0x7] =	wrdreg s22  }
0xc: {  	p0 =	sne.s32 s18, $0x0;
	s18 =	simm.s32 $0xF80;
	[dreg:$0x8] =	wrdreg s23  }
0xd: {  	s5 =	smul.u32 $0x140000, s3;
	[dreg:$0x9] =	wrdreg s24;
	s25 =	sshll.u32 s3, $0x4  }
0xe: {  	s26 =	ssub.s32 $0x2, s3;
	s8 =	sor.u32 s3, s8;
	s3 =	smul.u32 $0x5000, s3  }
0xf: {  	[dreg:$0x6] =	wrdreg s19;
	s10 =	sshrl.u32 s26, $0x1;
	s9 =	sshrl.u32 s9, $0x2  }
0x10: {  	s8 =	smul.u32 $0x5000, s8;
	s5 =	sadd.s32 s7, s5;
	s7 =	ssub.s32 s26, s10  }
0x11: {  	s13 =	sadd.s32 s9, s2;
	s3 =	sadd.s32 s3, s30;
	s10 =	simm.s32 $0x9000  }
0x12: {  	s9 =	simm.s32 $0xF00;
	s5 =	sshrl.u32 s5, $0x3;
	s31 =	sadd.s32 $0x4000, s13  }
0x13: {  	s11 =	sadd.s32 $0x8000, s13;
	s12 =	sadd.s32 $0xC000, s13;
	[dreg:$0xa] =	wrdreg s13  }
0x14: {  	s13 =	sadd.s32 $0x10000, s13;
	s16 =	sshrl.u32 s8, $0x3;
	s3 =	sor.u32 $0x400, s3  }
0x15: {  	s8 =	sor.u32 $0x800, s8;
	s22 =	smax.u32 s7, $0x1;
	s7 =	simm.s32 $0x9  }
0x16: {  	s5 =	sadd.s32 s5, s1;
	s1 =	sadd.s32 s25, s1;
	[dreg:$0xd] =	wrdreg s8  }
0x17: {  	s20 =	sadd.s32 s17, s16;
	s21 =	sadd.s32 s19, s16;
	[dreg:$0x10] =	wrdreg s22  }
0x18: {  	s3 =	sshrl.u32 s3, $0x3;
	s25 =	sshrl.u32 s31, $0x3;
	[dreg:$0xb] =	wrdreg s20  }
0x19: {  	s26 =	sshrl.u32 s11, $0x3;
	s30 =	sshrl.u32 s12, $0x3;
	[dreg:$0xc] =	wrdreg s21  }
0x1a: {  	s31 =	sshrl.u32 s13, $0x3;
	s12 =	simm.s32 $0xA;
	[dreg:$0x13] =	wrdreg s25  }
0x1b: {  	s13 =	simm.s32 $0x800;
	s16 =	simm.s32 $0x7;
	[dreg:$0x14] =	wrdreg s26  }
0x1c: {  	s22 =	simm.s32 $0x5000;
	s1 =	sadd.s32 $0x66000, s1;
	[dreg:$0x15] =	wrdreg s30  }
0x1d: {  	s8 =	simm.s32 $0x4;
	[dreg:$0xf] =	wrdreg s1;
	s1 =	sshrl.u32 @!p0 s14, $0x3  }
0x1e: {  	s11 =	simm.s32 $0x0;
	[dreg:$0x17] =	wrdreg s1;
	s1 =	sshrl.u32 @!p0 s15, $0x3  }
0x1f: {  	s5 =	sadd.s32 $0x16000, s5;
	[dreg:$0x18] =	wrdreg s1;
	s1 =	sadd.s32 $0xC00, s4  }
0x20: {  	s23 =	sadd.s32 s3, s19;
	[dreg:$0x16] =	wrdreg s31;
	s1 =	sshrl.u32 @!p0 s1, $0x3  }
0x21: {  	s24 =	sadd.s32 s3, s17;
	[dreg:$0x19] =	wrdreg s1;
	s1 =	sadd.s32 $0x1000, s4  }
0x22: {  	s3 =	sadd.s32 $0x1400, s4;
	[dreg:$0xe] =	wrdreg s5;
	s1 =	sshrl.u32 @!p0 s1, $0x3  }
0x23: {  	s17 =	simm.s32 $0x40;
	[dreg:$0x1a] =	wrdreg s1;
	s1 =	sshrl.u32 @!p0 s3, $0x3  }
0x24: {  	s20 =	simm.s32 $0x1000;
	[dreg:$0x1b] =	wrdreg s1;
	s1 =	sadd.s32 $0x1800, s4  }
0x25: {  	s21 =	simm.s32 $0x3000;
	[dreg:$0x11] =	wrdreg s23;
	s1 =	sshrl.u32 @!p0 s1, $0x3  }
0x26: {  	s25 =	simm.s32 $0xC00;
	[dreg:$0x1c] =	wrdreg s1;
	s1 =	sadd.s32 $0x1C00, s4  }
.Ltmp0:
0x27: {  	s3 =	sadd.s32 $0x2000, s4;
	s1 =	sshrl.u32 @!p0 s1, $0x3;
	(pc) =	sbr.rel .LBB2_1-.Ltmp0, $4  }
0x28: {  	s26 =	simm.s32 $0x1;
	[dreg:$0x1d] =	wrdreg s1;
	s1 =	sshrl.u32 @!p0 s3, $0x3  }
0x29: {  	s19 =	simm.s32 $0x6;
	[dreg:$0x1e] =	wrdreg s1;
	s1 =	sadd.s32 $0x2400, s4  }
0x2a: {  	[dreg:$0x12] =	wrdreg s24;
	s23 =	simm.s32 $0x7000;
	s1 =	sshrl.u32 @!p0 s1, $0x3  }
0x2b: {  	s15 =	simm.s32 $0x5;
	s3 =	simm.s32 $0x3;
	[dreg:$0x1f] =	wrdreg s1  }
.LBB2_4:
0x2c: {  	_ =	swait.ge [sflag:s8], $0x2000  }
0x2d: {  	[sflag:s8] =	ssyncset.done $0x0  }
0x2e: {  	[sflag:s8] =	ssyncadd.s32 $0xFFFFE000  }
0x2f: {  	[spmem:s2] =	stream.indirect.scatter.add.f32 [tilespmem:s23], [sflag:$0xA], $0x80, s18, s17, $0xb8;
	[tilespmem:$0x1D300] =	vst v63  }
0x30: {  	_ =	swait.ge [sflag:s12], $0x2000  }
0x31: {  	[sflag:s12] =	ssyncset.done $0x0  }
0x32: {  	[sflag:s12] =	ssyncadd.s32 $0xFFFFE000  }
0x33: {  	[spmem:s4] =	stream.indirect.scatter.add.f32 [tilespmem:s10], [sflag:$0x9], $0x1, s18, s17, $0xb8;
	[tilespmem:$0x1D300] =	vst v63  }
0x34: {  	_ =	swait.ge [sflag:s7], $0x40  }
0x35: {  	[sflag:s7] =	ssyncset.done $0x0  }
0x36: {  	[sflag:s7] =	ssyncadd.s32 $0xFFFFFFC0  }
0x37: {  	_ =	swait.ge [sflag:s7], $0x40  }
0x38: {  	[sflag:s7] =	ssyncset.done $0x0  }
0x39: {  	[sflag:s7] =	ssyncadd.s32 $0xFFFFFFC0  }
0x3a: {  	_ =	swait.ge [sflag:s7], $0x40  }
0x3b: {  	[sflag:s7] =	ssyncset.done $0x0  }
0x3c: {  	[sflag:s7] =	ssyncadd.s32 $0xFFFFFFC0  }
0x3d: {  	_ =	swait.ge [sflag:s7], $0x40  }
0x3e: {  	[sflag:s7] =	ssyncset.done $0x0  }
0x3f: {  	[sflag:s7] =	ssyncadd.s32 $0xFFFFFFC0  }
0x40: {  	_ =	swait.ge [sflag:s7], $0x40  }
0x41: {  	[sflag:s7] =	ssyncset.done $0x0  }
0x42: {  	[sflag:s7] =	ssyncadd.s32 $0xFFFFFFC0  }
0x43: {  	_ =	swait.ge [sflag:s7], $0x40  }
0x44: {  	[sflag:s7] =	ssyncset.done $0x0  }
0x45: {  	[sflag:s7] =	ssyncadd.s32 $0xFFFFFFC0  }
0x46: {  	_ =	swait.ge [sflag:s7], $0x40  }
0x47: {  	[sflag:s7] =	ssyncset.done $0x0  }
0x48: {  	[sflag:s7] =	ssyncadd.s32 $0xFFFFFFC0  }
0x49: {  	_ =	swait.ge [sflag:s7], $0x40  }
0x4a: {  	[sflag:s7] =	ssyncset.done $0x0  }
0x4b: {  	[sflag:s7] =	ssyncadd.s32 $0xFFFFFFC0  }
0x4c: {  	[bflag:$0x0] =	sbarrier.arrive $0xFFFF  }
0x4d: {  	s24 =	sld [smem:$0x7FD]  }
0x4e: {  	s5 =	sld [smem:$0x7FB];
	_ =	sdelay $0x1  }
0x4f: {  	s1 =	rddreg [dreg:$0xe]  }
0x50: {  	[hbm:s1], [sflag:s24] =	dma.local [spmem:s5], $0x2800  }
0x51: {  	_ =	swait.ge [sflag:s12], $0x2800  }
0x52: {  	s30 =	sld [smem:$0x7FC]  }
0x53: {  	s11 =	simm.s32 @!p0 $0x10;
	s1 =	simm.s32 @!p0 $0x1;
	[sflag:s12] =	ssyncset.done $0x0  }
0x54: {  	s5 =	simm.s32 @!p0 $0x20;
	s14 =	rddreg [dreg:$0xf];
	[sflag:s12] =	ssyncadd.s32 $0xFFFFD800  }
0x55: {  	[hbm:s14@s5], [sflag:s24] =	dma.strided @!p0 [spmem:s30@s11], $0x500, s1, $0x10   }
0x56: {  	s1 =	simm.s32 @!p0 $0xA  }
0x57: {  	_ =	swait.ge @!p0 [sflag:s1], $0x500  }
0x58: {  	s30 =	sld [smem:$0x7FA];
	_ =	sdelay $0x2  }
0x59: {  	s31 =	rddreg [dreg:$0x10];
	s11 =	sadd.s32 $0x1, s30  }
0x5a: {  	p1 =	sne.s32 s11, s31  }
.Ltmp1:
0x5b: {  	_ = 	snop;
	(pc) =	sbr.rel @!p1 .LBB2_5-.Ltmp1, $3  }
0x5c: {  	_ =	sdelay $0x1  }
0x5d: {  	[sflag:s1] =	ssyncset.done @!p0 $0x0  }
0x5e: {  	[sflag:s1] =	ssyncadd.s32 @!p0 $0xFFFFFB00  }
.LBB2_1:
0x5f: {  	[smem:$0x7FA] =	sst s11  }
0x60: {  	s1 =	rddreg [dreg:$0x9];
	s14 =	stileid.u32  }
0x61: {  	[tilespmem:s10], [sflag:$0xA] =	stream.linear.gather [hbm4b:s1+s6], $0x80, $0x38;
	[tilespmem:$0x1D300] =	vst v63  }
0x62: {  	s1 =	sshll.u32 s14, $0x6;
	_ =	swait.ge [sflag:s12], $0x80  }
0x63: {  	s14 =	sor.u32 $0x1C0A, s1;
	s24 =	rddreg [dreg:$0xa]  }
0x64: {  	[sflag:s12] =	ssyncset.done $0x0;
	s1 =	rddreg [dreg:$0x7];
	s5 =	sshrl.u32 s24, $0x3  }
0x65: {  	[sflag:s12] =	ssyncadd.s32 $0xFFFFFF80;
	[smem:$0x7FB] =	sst s5  }
0x66: {  	[spmem:s5], [sflag:s14] =	dma.local [hbm:s1], $0x800  }
0x67: {  	_ =	swait.ge [sflag:s12], $0x800  }
0x68: {  	[sflag:s12] =	ssyncset.done $0x0  }
0x69: {  	s30 =	rddreg [dreg:$0x13];
	[sflag:s12] =	ssyncadd.s32 $0xFFFFF800  }
0x6a: {  	[spmem:s30], [sflag:s14] =	dma.local [hbm:s1], $0x800  }
0x6b: {  	_ =	swait.ge [sflag:s12], $0x800  }
0x6c: {  	[sflag:s12] =	ssyncset.done $0x0  }
0x6d: {  	s11 =	rddreg [dreg:$0x14];
	[sflag:s12] =	ssyncadd.s32 $0xFFFFF800  }
0x6e: {  	[spmem:s11], [sflag:s14] =	dma.local [hbm:s1], $0x800  }
0x6f: {  	_ =	swait.ge [sflag:s12], $0x800  }
0x70: {  	[sflag:s12] =	ssyncset.done $0x0  }
0x71: {  	s24 =	rddreg [dreg:$0x15];
	[sflag:s12] =	ssyncadd.s32 $0xFFFFF800  }
0x72: {  	[spmem:s24], [sflag:s14] =	dma.local [hbm:s1], $0x800  }
0x73: {  	_ =	swait.ge [sflag:s12], $0x800  }
0x74: {  	[sflag:s12] =	ssyncset.done $0x0  }
0x75: {  	s30 =	rddreg [dreg:$0x16];
	[sflag:s12] =	ssyncadd.s32 $0xFFFFF800  }
0x76: {  	[spmem:s30], [sflag:s14] =	dma.local [hbm:s1], $0x800  }
0x77: {  	_ =	swait.ge [sflag:s12], $0x800  }
0x78: {  	s1 =	sshrl.u32 @!p0 s4, $0x3;
	[sflag:s12] =	ssyncset.done $0x0;
	s5 =	rddreg [dreg:$0x8]  }
0x79: {  	[smem:$0x7FC] =	sst s1;
	[sflag:s12] =	ssyncadd.s32 $0xFFFFF800  }
0x7a: {  	[spmem:s1], [sflag:s14] =	dma.local @!p0 [hbm:s5], $0x80  }
0x7b: {  	s1 =	simm.s32 @!p0 $0xA  }
0x7c: {  	_ =	swait.ge @!p0 [sflag:s1], $0x80  }
0x7d: {  	[sflag:s1] =	ssyncset.done @!p0 $0x0  }
0x7e: {  	s11 =	rddreg [dreg:$0x17];
	[sflag:s1] =	ssyncadd.s32 @!p0 $0xFFFFFF80  }
0x7f: {  	[spmem:s11], [sflag:s14] =	dma.local @!p0 [hbm:s5], $0x80  }
0x80: {  	_ =	swait.ge @!p0 [sflag:s1], $0x80  }
0x81: {  	[sflag:s1] =	ssyncset.done @!p0 $0x0  }
0x82: {  	s11 =	rddreg [dreg:$0x18];
	[sflag:s1] =	ssyncadd.s32 @!p0 $0xFFFFFF80  }
0x83: {  	[spmem:s11], [sflag:s14] =	dma.local @!p0 [hbm:s5], $0x80  }
0x84: {  	_ =	swait.ge @!p0 [sflag:s1], $0x80  }
0x85: {  	[sflag:s1] =	ssyncset.done @!p0 $0x0  }
0x86: {  	s11 =	rddreg [dreg:$0x19];
	[sflag:s1] =	ssyncadd.s32 @!p0 $0xFFFFFF80  }
0x87: {  	[spmem:s11], [sflag:s14] =	dma.local @!p0 [hbm:s5], $0x80  }
0x88: {  	_ =	swait.ge @!p0 [sflag:s1], $0x80  }
0x89: {  	[sflag:s1] =	ssyncset.done @!p0 $0x0  }
0x8a: {  	s11 =	rddreg [dreg:$0x1a];
	[sflag:s1] =	ssyncadd.s32 @!p0 $0xFFFFFF80  }
0x8b: {  	[spmem:s11], [sflag:s14] =	dma.local @!p0 [hbm:s5], $0x80  }
0x8c: {  	_ =	swait.ge @!p0 [sflag:s1], $0x80  }
0x8d: {  	[sflag:s1] =	ssyncset.done @!p0 $0x0  }
0x8e: {  	s11 =	rddreg [dreg:$0x1b];
	[sflag:s1] =	ssyncadd.s32 @!p0 $0xFFFFFF80  }
0x8f: {  	[spmem:s11], [sflag:s14] =	dma.local @!p0 [hbm:s5], $0x80  }
0x90: {  	_ =	swait.ge @!p0 [sflag:s1], $0x80  }
0x91: {  	[sflag:s1] =	ssyncset.done @!p0 $0x0  }
0x92: {  	s11 =	rddreg [dreg:$0x1c];
	[sflag:s1] =	ssyncadd.s32 @!p0 $0xFFFFFF80  }
0x93: {  	[spmem:s11], [sflag:s14] =	dma.local @!p0 [hbm:s5], $0x80  }
0x94: {  	_ =	swait.ge @!p0 [sflag:s1], $0x80  }
0x95: {  	[sflag:s1] =	ssyncset.done @!p0 $0x0  }
0x96: {  	s11 =	rddreg [dreg:$0x1d];
	[sflag:s1] =	ssyncadd.s32 @!p0 $0xFFFFFF80  }
0x97: {  	[spmem:s11], [sflag:s14] =	dma.local @!p0 [hbm:s5], $0x80  }
0x98: {  	_ =	swait.ge @!p0 [sflag:s1], $0x80  }
0x99: {  	[sflag:s1] =	ssyncset.done @!p0 $0x0  }
0x9a: {  	s11 =	rddreg [dreg:$0x1e];
	[sflag:s1] =	ssyncadd.s32 @!p0 $0xFFFFFF80  }
0x9b: {  	[spmem:s11], [sflag:s14] =	dma.local @!p0 [hbm:s5], $0x80  }
0x9c: {  	_ =	swait.ge @!p0 [sflag:s1], $0x80  }
0x9d: {  	[sflag:s1] =	ssyncset.done @!p0 $0x0;
	s11 =	rddreg [dreg:$0x1f]  }
0x9e: {  	[smem:$0x7FD] =	sst s14;
	[sflag:s1] =	ssyncadd.s32 @!p0 $0xFFFFFF80  }
0x9f: {  	[spmem:s11], [sflag:s14] =	dma.local @!p0 [hbm:s5], $0x80  }
0xa0: {  	_ =	swait.ge @!p0 [sflag:s1], $0x80  }
0xa1: {  	[sflag:s1] =	ssyncset.done @!p0 $0x0  }
0xa2: {  	s5 =	rddreg [dreg:$0xb];
	[sflag:s1] =	ssyncadd.s32 @!p0 $0xFFFFFF80  }
0xa3: {  	[tilespmem:s6], [sflag:$0x5] =	stream.linear.gather [hbm4b:s5+s6], $0x400, $0x38;
	[tilespmem:$0x1D300] =	vst v63  }
0xa4: {  	s11 =	rddreg [dreg:$0xc]  }
0xa5: {  	[tilespmem:s13], [sflag:$0x7] =	stream.linear.gather [hbm4b:s11+s6], $0x400, $0x38;
	[tilespmem:$0x1D300] =	vst v63  }
0xa6: {  	_ =	swait.ge [sflag:s15], $0x400  }
0xa7: {  	[sflag:s15] =	ssyncset.done $0x0  }
0xa8: {  	[sflag:s15] =	ssyncadd.s32 $0xFFFFFC00  }
0xa9: {  	_ =	swait.ge [sflag:s16], $0x400  }
0xaa: {  	[sflag:s16] =	ssyncset.done $0x0  }
0xab: {  	[sflag:s16] =	ssyncadd.s32 $0xFFFFFC00  }
0xac: {  	[bflag:$0x0] =	sbarrier.arrive $0xFFFF  }
0xad: {  	[tilespmem:s20], [sflag:$0x1] =	stream.indirect.gather [hbm4b:s0+s17], $0x80, s6, s17, $0xb8;
	[tilespmem:$0x1D300] =	vst v63  }
0xae: {  	s14 =	simm.s32 $0x80  }
0xaf: {  	[tilespmem:s21], [sflag:$0x2] =	stream.indirect.gather [hbm4b:s0+s17], $0x80, s14, s17, $0xb8;
	[tilespmem:$0x1D300] =	vst v63  }
0xb0: {  	s24 =	simm.s32 $0x100;
	s31 =	rddreg [dreg:$0x12]  }
0xb1: {  	[tilespmem:s22], [sflag:$0x3] =	stream.indirect.gather [hbm4b:s0+s17], $0x80, s24, s17, $0xb8;
	[tilespmem:$0x1D300] =	vst v63  }
0xb2: {  	s30 =	simm.s32 $0x180;
	s11 =	simm.s32 $0x0;
	s1 =	rddreg [dreg:$0x11]  }
0xb3: {  	[tilespmem:s23], [sflag:$0x4] =	stream.indirect.gather [hbm4b:s0+s17], $0x80, s30, s17, $0xb8;
	[tilespmem:$0x1D300] =	vst v63  }
.LBB2_2:
0xb4: {  	p1 =	seq.s32 s11, $0x0  }
0xb5: {  	s14 =	simm.s32 @!p1 $0x9  }
0xb6: {  	_ =	swait.ge @!p1 [sflag:s14], $0x40  }
0xb7: {  	[sflag:s14] =	ssyncset.done @!p1 $0x0  }
0xb8: {  	[sflag:s14] =	ssyncadd.s32 @!p1 $0xFFFFFFC0  }
0xb9: {  	_ =	swait.ge @!p1 [sflag:s14], $0x40  }
0xba: {  	[sflag:s14] =	ssyncset.done @!p1 $0x0  }
0xbb: {  	[sflag:s14] =	ssyncadd.s32 @!p1 $0xFFFFFFC0  }
0xbc: {  	_ =	swait.ge @!p1 [sflag:s14], $0x40  }
0xbd: {  	[sflag:s14] =	ssyncset.done @!p1 $0x0  }
0xbe: {  	[sflag:s14] =	ssyncadd.s32 @!p1 $0xFFFFFFC0  }
0xbf: {  	_ =	swait.ge @!p1 [sflag:s14], $0x40  }
0xc0: {  	[sflag:s14] =	ssyncset.done @!p1 $0x0  }
0xc1: {  	[sflag:s14] =	ssyncadd.s32 @!p1 $0xFFFFFFC0  }
0xc2: {  	_ =	swait.ge @!p1 [sflag:s14], $0x40  }
0xc3: {  	[sflag:s14] =	ssyncset.done @!p1 $0x0  }
0xc4: {  	[sflag:s14] =	ssyncadd.s32 @!p1 $0xFFFFFFC0  }
0xc5: {  	_ =	swait.ge @!p1 [sflag:s14], $0x40  }
0xc6: {  	[sflag:s14] =	ssyncset.done @!p1 $0x0  }
0xc7: {  	[sflag:s14] =	ssyncadd.s32 @!p1 $0xFFFFFFC0  }
0xc8: {  	_ =	swait.ge @!p1 [sflag:s14], $0x40  }
0xc9: {  	[sflag:s14] =	ssyncset.done @!p1 $0x0  }
0xca: {  	[sflag:s14] =	ssyncadd.s32 @!p1 $0xFFFFFFC0  }
0xcb: {  	_ =	swait.ge @!p1 [sflag:s14], $0x40  }
0xcc: {  	[sflag:s14] =	ssyncset.done @!p1 $0x0  }
0xcd: {  	s5 =	simm.s32 $0x400;
	[sflag:s14] =	ssyncadd.s32 @!p1 $0xFFFFFFC0  }
0xce: {  	[tilespmem:s5], [sflag:$0x6] =	stream.linear.gather [hbm4b:s31+s6], $0x400, $0x38;
	[tilespmem:$0x1D300] =	vst v63  }
0xcf: {  	_ = 	snop  }
0xd0: {  	[tilespmem:s25], [sflag:$0x8] =	stream.linear.gather [hbm4b:s1+s6], $0x400, $0x38;
	[tilespmem:$0x1D300] =	vst v63  }
0xd1: {  	_ =	swait.ge [sflag:s26], $0x2000  }
0xd2: {  	[sflag:s26] =	ssyncset.done $0x0  }
0xd3: {  	[sflag:s26] =	ssyncadd.s32 $0xFFFFE000  }
0xd4: {  	[spmem:s2] =	stream.indirect.scatter.add.f32 [tilespmem:s20], [sflag:$0xA], $0x80, s13, s17, $0xb8;
	[tilespmem:$0x1D300] =	vst v63  }
0xd5: {  	_ =	swait.ge [sflag:s12], $0x2000  }
0xd6: {  	[sflag:s12] =	ssyncset.done $0x0  }
0xd7: {  	[sflag:s12] =	ssyncadd.s32 $0xFFFFE000  }
0xd8: {  	[spmem:s4] =	stream.indirect.scatter.add.f32 [tilespmem:s10], [sflag:$0x9], $0x1, s13, s17, $0xb8;
	[tilespmem:$0x1D300] =	vst v63  }
0xd9: {  	s24 =	simm.s32 $0x200  }
0xda: {  	[tilespmem:s20], [sflag:$0x1] =	stream.indirect.gather [hbm4b:s0+s17], $0x80, s24, s17, $0xb8;
	[tilespmem:$0x1D300] =	vst v63  }
0xdb: {  	_ =	swait.ge [sflag:s29], $0x2000  }
0xdc: {  	[sflag:s29] =	ssyncset.done $0x0  }
0xdd: {  	s30 =	simm.s32 $0x880;
	[sflag:s29] =	ssyncadd.s32 $0xFFFFE000  }
0xde: {  	[spmem:s2] =	stream.indirect.scatter.add.f32 [tilespmem:s21], [sflag:$0xA], $0x80, s30, s17, $0xb8;
	[tilespmem:$0x1D300] =	vst v63  }
0xdf: {  	_ =	swait.ge [sflag:s12], $0x2000  }
0xe0: {  	[sflag:s12] =	ssyncset.done $0x0  }
0xe1: {  	[sflag:s12] =	ssyncadd.s32 $0xFFFFE000  }
0xe2: {  	[spmem:s4] =	stream.indirect.scatter.add.f32 [tilespmem:s10], [sflag:$0x9], $0x1, s30, s17, $0xb8;
	[tilespmem:$0x1D300] =	vst v63  }
0xe3: {  	s24 =	simm.s32 $0x280  }
0xe4: {  	[tilespmem:s21], [sflag:$0x2] =	stream.indirect.gather [hbm4b:s0+s17], $0x80, s24, s17, $0xb8;
	[tilespmem:$0x1D300] =	vst v63  }
0xe5: {  	_ =	swait.ge [sflag:s3], $0x2000  }
0xe6: {  	[sflag:s3] =	ssyncset.done $0x0  }
0xe7: {  	s30 =	simm.s32 $0x900;
	[sflag:s3] =	ssyncadd.s32 $0xFFFFE000  }
0xe8: {  	[spmem:s2] =	stream.indirect.scatter.add.f32 [tilespmem:s22], [sflag:$0xA], $0x80, s30, s17, $0xb8;
	[tilespmem:$0x1D300] =	vst v63  }
0xe9: {  	_ =	swait.ge [sflag:s12], $0x2000  }
0xea: {  	[sflag:s12] =	ssyncset.done $0x0  }
0xeb: {  	[sflag:s12] =	ssyncadd.s32 $0xFFFFE000  }
0xec: {  	[spmem:s4] =	stream.indirect.scatter.add.f32 [tilespmem:s10], [sflag:$0x9], $0x1, s30, s17, $0xb8;
	[tilespmem:$0x1D300] =	vst v63  }
0xed: {  	s24 =	simm.s32 $0x300  }
0xee: {  	[tilespmem:s22], [sflag:$0x3] =	stream.indirect.gather [hbm4b:s0+s17], $0x80, s24, s17, $0xb8;
	[tilespmem:$0x1D300] =	vst v63  }
0xef: {  	_ =	swait.ge [sflag:s8], $0x2000  }
0xf0: {  	[sflag:s8] =	ssyncset.done $0x0  }
0xf1: {  	s30 =	simm.s32 $0x980;
	[sflag:s8] =	ssyncadd.s32 $0xFFFFE000  }
0xf2: {  	[spmem:s2] =	stream.indirect.scatter.add.f32 [tilespmem:s23], [sflag:$0xA], $0x80, s30, s17, $0xb8;
	[tilespmem:$0x1D300] =	vst v63  }
0xf3: {  	_ =	swait.ge [sflag:s12], $0x2000  }
0xf4: {  	[sflag:s12] =	ssyncset.done $0x0  }
0xf5: {  	[sflag:s12] =	ssyncadd.s32 $0xFFFFE000  }
0xf6: {  	[spmem:s4] =	stream.indirect.scatter.add.f32 [tilespmem:s10], [sflag:$0x9], $0x1, s30, s17, $0xb8;
	[tilespmem:$0x1D300] =	vst v63  }
0xf7: {  	s24 =	simm.s32 $0x380  }
0xf8: {  	[tilespmem:s23], [sflag:$0x4] =	stream.indirect.gather [hbm4b:s0+s17], $0x80, s24, s17, $0xb8;
	[tilespmem:$0x1D300] =	vst v63  }
0xf9: {  	_ =	swait.ge [sflag:s26], $0x2000  }
0xfa: {  	[sflag:s26] =	ssyncset.done $0x0  }
0xfb: {  	s30 =	simm.s32 $0xA00;
	[sflag:s26] =	ssyncadd.s32 $0xFFFFE000  }
0xfc: {  	[spmem:s2] =	stream.indirect.scatter.add.f32 [tilespmem:s20], [sflag:$0xA], $0x80, s30, s17, $0xb8;
	[tilespmem:$0x1D300] =	vst v63  }
0xfd: {  	_ =	swait.ge [sflag:s12], $0x2000  }
0xfe: {  	[sflag:s12] =	ssyncset.done $0x0  }
0xff: {  	[sflag:s12] =	ssyncadd.s32 $0xFFFFE000  }
0x100: {  	[spmem:s4] =	stream.indirect.scatter.add.f32 [tilespmem:s10], [sflag:$0x9], $0x1, s30, s17, $0xb8;
	[tilespmem:$0x1D300] =	vst v63  }
0x101: {  	_ =	swait.ge [sflag:s19], $0x400  }
0x102: {  	[sflag:s19] =	ssyncset.done $0x0  }
0x103: {  	[sflag:s19] =	ssyncadd.s32 $0xFFFFFC00  }
0x104: {  	_ =	swait.ge [sflag:s28], $0x400  }
0x105: {  	[sflag:s28] =	ssyncset.done $0x0  }
0x106: {  	[sflag:s28] =	ssyncadd.s32 $0xFFFFFC00  }
0x107: {  	[tilespmem:s20], [sflag:$0x1] =	stream.indirect.gather [hbm4b:s0+s17], $0x80, s5, s17, $0xb8;
	[tilespmem:$0x1D300] =	vst v63  }
0x108: {  	_ =	swait.ge [sflag:s29], $0x2000  }
0x109: {  	[sflag:s29] =	ssyncset.done $0x0  }
0x10a: {  	s24 =	simm.s32 $0xA80;
	[sflag:s29] =	ssyncadd.s32 $0xFFFFE000  }
0x10b: {  	[spmem:s2] =	stream.indirect.scatter.add.f32 [tilespmem:s21], [sflag:$0xA], $0x80, s24, s17, $0xb8;
	[tilespmem:$0x1D300] =	vst v63  }
0x10c: {  	_ =	swait.ge [sflag:s12], $0x2000  }
0x10d: {  	[sflag:s12] =	ssyncset.done $0x0  }
0x10e: {  	[sflag:s12] =	ssyncadd.s32 $0xFFFFE000  }
0x10f: {  	[spmem:s4] =	stream.indirect.scatter.add.f32 [tilespmem:s10], [sflag:$0x9], $0x1, s24, s17, $0xb8;
	[tilespmem:$0x1D300] =	vst v63  }
0x110: {  	s30 =	simm.s32 $0x480  }
0x111: {  	[tilespmem:s21], [sflag:$0x2] =	stream.indirect.gather [hbm4b:s0+s17], $0x80, s30, s17, $0xb8;
	[tilespmem:$0x1D300] =	vst v63  }
0x112: {  	_ =	swait.ge [sflag:s3], $0x2000  }
0x113: {  	[sflag:s3] =	ssyncset.done $0x0  }
0x114: {  	s14 =	simm.s32 $0xB00;
	[sflag:s3] =	ssyncadd.s32 $0xFFFFE000  }
0x115: {  	[spmem:s2] =	stream.indirect.scatter.add.f32 [tilespmem:s22], [sflag:$0xA], $0x80, s14, s17, $0xb8;
	[tilespmem:$0x1D300] =	vst v63  }
0x116: {  	_ =	swait.ge [sflag:s12], $0x2000  }
0x117: {  	[sflag:s12] =	ssyncset.done $0x0  }
0x118: {  	[sflag:s12] =	ssyncadd.s32 $0xFFFFE000  }
0x119: {  	[spmem:s4] =	stream.indirect.scatter.add.f32 [tilespmem:s10], [sflag:$0x9], $0x1, s14, s17, $0xb8;
	[tilespmem:$0x1D300] =	vst v63  }
0x11a: {  	s24 =	simm.s32 $0x500  }
0x11b: {  	[tilespmem:s22], [sflag:$0x3] =	stream.indirect.gather [hbm4b:s0+s17], $0x80, s24, s17, $0xb8;
	[tilespmem:$0x1D300] =	vst v63  }
0x11c: {  	_ =	swait.ge [sflag:s8], $0x2000  }
0x11d: {  	[sflag:s8] =	ssyncset.done $0x0  }
0x11e: {  	s30 =	simm.s32 $0xB80;
	[sflag:s8] =	ssyncadd.s32 $0xFFFFE000  }
0x11f: {  	[spmem:s2] =	stream.indirect.scatter.add.f32 [tilespmem:s23], [sflag:$0xA], $0x80, s30, s17, $0xb8;
	[tilespmem:$0x1D300] =	vst v63  }
0x120: {  	_ =	swait.ge [sflag:s12], $0x2000  }
0x121: {  	[sflag:s12] =	ssyncset.done $0x0  }
0x122: {  	[sflag:s12] =	ssyncadd.s32 $0xFFFFE000  }
0x123: {  	[spmem:s4] =	stream.indirect.scatter.add.f32 [tilespmem:s10], [sflag:$0x9], $0x1, s30, s17, $0xb8;
	[tilespmem:$0x1D300] =	vst v63  }
0x124: {  	s14 =	simm.s32 $0x580  }
0x125: {  	[tilespmem:s23], [sflag:$0x4] =	stream.indirect.gather [hbm4b:s0+s17], $0x80, s14, s17, $0xb8;
	[tilespmem:$0x1D300] =	vst v63  }
0x126: {  	_ =	swait.ge [sflag:s7], $0x40  }
0x127: {  	[sflag:s7] =	ssyncset.done $0x0  }
0x128: {  	[sflag:s7] =	ssyncadd.s32 $0xFFFFFFC0  }
0x129: {  	_ =	swait.ge [sflag:s7], $0x40  }
0x12a: {  	[sflag:s7] =	ssyncset.done $0x0  }
0x12b: {  	[sflag:s7] =	ssyncadd.s32 $0xFFFFFFC0  }
0x12c: {  	_ =	swait.ge [sflag:s7], $0x40  }
0x12d: {  	[sflag:s7] =	ssyncset.done $0x0  }
0x12e: {  	[sflag:s7] =	ssyncadd.s32 $0xFFFFFFC0  }
0x12f: {  	_ =	swait.ge [sflag:s7], $0x40  }
0x130: {  	[sflag:s7] =	ssyncset.done $0x0  }
0x131: {  	[sflag:s7] =	ssyncadd.s32 $0xFFFFFFC0  }
0x132: {  	_ =	swait.ge [sflag:s7], $0x40  }
0x133: {  	[sflag:s7] =	ssyncset.done $0x0  }
0x134: {  	[sflag:s7] =	ssyncadd.s32 $0xFFFFFFC0  }
0x135: {  	_ =	swait.ge [sflag:s7], $0x40  }
0x136: {  	[sflag:s7] =	ssyncset.done $0x0  }
0x137: {  	[sflag:s7] =	ssyncadd.s32 $0xFFFFFFC0  }
0x138: {  	_ =	swait.ge [sflag:s7], $0x40  }
0x139: {  	[sflag:s7] =	ssyncset.done $0x0  }
0x13a: {  	[sflag:s7] =	ssyncadd.s32 $0xFFFFFFC0  }
0x13b: {  	s24 =	smin.u32 s11, $0x11;
	_ =	swait.ge [sflag:s7], $0x40  }
0x13c: {  	s14 =	sshll.u32 s24, $0xA;
	s30 =	rddreg [dreg:$0xd];
	[sflag:s7] =	ssyncset.done $0x0  }
0x13d: {  	s14 =	sadd.s32 s14, s30;
	[sflag:s7] =	ssyncadd.s32 $0xFFFFFFC0  }
0x13e: {  	s14 =	sshrl.u32 s14, $0x3;
	s24 =	rddreg [dreg:$0x1]  }
0x13f: {  	s30 =	rddreg [dreg:$0x6];
	s24 =	sadd.s32 s24, s14  }
0x140: {  	[tilespmem:s6], [sflag:$0x5] =	stream.linear.gather [hbm4b:s24+s6], $0x400, $0x38;
	[tilespmem:$0x1D300] =	vst v63  }
0x141: {  	s14 =	sadd.s32 s30, s14  }
0x142: {  	[tilespmem:s13], [sflag:$0x7] =	stream.linear.gather [hbm4b:s14+s6], $0x400, $0x38;
	[tilespmem:$0x1D300] =	vst v63  }
0x143: {  	_ =	swait.ge [sflag:s26], $0x2000  }
0x144: {  	[sflag:s26] =	ssyncset.done $0x0  }
0x145: {  	[sflag:s26] =	ssyncadd.s32 $0xFFFFE000  }
0x146: {  	[spmem:s2] =	stream.indirect.scatter.add.f32 [tilespmem:s20], [sflag:$0xA], $0x80, s25, s17, $0xb8;
	[tilespmem:$0x1D300] =	vst v63  }
0x147: {  	_ =	swait.ge [sflag:s12], $0x2000  }
0x148: {  	[sflag:s12] =	ssyncset.done $0x0  }
0x149: {  	[sflag:s12] =	ssyncadd.s32 $0xFFFFE000  }
0x14a: {  	[spmem:s4] =	stream.indirect.scatter.add.f32 [tilespmem:s10], [sflag:$0x9], $0x1, s25, s17, $0xb8;
	[tilespmem:$0x1D300] =	vst v63  }
0x14b: {  	s24 =	simm.s32 $0x600  }
0x14c: {  	[tilespmem:s20], [sflag:$0x1] =	stream.indirect.gather [hbm4b:s0+s17], $0x80, s24, s17, $0xb8;
	[tilespmem:$0x1D300] =	vst v63  }
0x14d: {  	_ =	swait.ge [sflag:s29], $0x2000  }
0x14e: {  	[sflag:s29] =	ssyncset.done $0x0  }
0x14f: {  	s30 =	simm.s32 $0xC80;
	[sflag:s29] =	ssyncadd.s32 $0xFFFFE000  }
0x150: {  	[spmem:s2] =	stream.indirect.scatter.add.f32 [tilespmem:s21], [sflag:$0xA], $0x80, s30, s17, $0xb8;
	[tilespmem:$0x1D300] =	vst v63  }
0x151: {  	_ =	swait.ge [sflag:s12], $0x2000  }
0x152: {  	[sflag:s12] =	ssyncset.done $0x0  }
0x153: {  	[sflag:s12] =	ssyncadd.s32 $0xFFFFE000  }
0x154: {  	[spmem:s4] =	stream.indirect.scatter.add.f32 [tilespmem:s10], [sflag:$0x9], $0x1, s30, s17, $0xb8;
	[tilespmem:$0x1D300] =	vst v63  }
0x155: {  	s14 =	simm.s32 $0x680  }
0x156: {  	[tilespmem:s21], [sflag:$0x2] =	stream.indirect.gather [hbm4b:s0+s17], $0x80, s14, s17, $0xb8;
	[tilespmem:$0x1D300] =	vst v63  }
0x157: {  	_ =	swait.ge [sflag:s3], $0x2000  }
0x158: {  	[sflag:s3] =	ssyncset.done $0x0  }
0x159: {  	s24 =	simm.s32 $0xD00;
	[sflag:s3] =	ssyncadd.s32 $0xFFFFE000  }
0x15a: {  	[spmem:s2] =	stream.indirect.scatter.add.f32 [tilespmem:s22], [sflag:$0xA], $0x80, s24, s17, $0xb8;
	[tilespmem:$0x1D300] =	vst v63  }
0x15b: {  	_ =	swait.ge [sflag:s12], $0x2000  }
0x15c: {  	[sflag:s12] =	ssyncset.done $0x0  }
0x15d: {  	[sflag:s12] =	ssyncadd.s32 $0xFFFFE000  }
0x15e: {  	[spmem:s4] =	stream.indirect.scatter.add.f32 [tilespmem:s10], [sflag:$0x9], $0x1, s24, s17, $0xb8;
	[tilespmem:$0x1D300] =	vst v63  }
0x15f: {  	s30 =	simm.s32 $0x700  }
0x160: {  	[tilespmem:s22], [sflag:$0x3] =	stream.indirect.gather [hbm4b:s0+s17], $0x80, s30, s17, $0xb8;
	[tilespmem:$0x1D300] =	vst v63  }
0x161: {  	_ =	swait.ge [sflag:s8], $0x2000  }
0x162: {  	[sflag:s8] =	ssyncset.done $0x0  }
0x163: {  	s14 =	simm.s32 $0xD80;
	[sflag:s8] =	ssyncadd.s32 $0xFFFFE000  }
0x164: {  	[spmem:s2] =	stream.indirect.scatter.add.f32 [tilespmem:s23], [sflag:$0xA], $0x80, s14, s17, $0xb8;
	[tilespmem:$0x1D300] =	vst v63  }
0x165: {  	_ =	swait.ge [sflag:s12], $0x2000  }
0x166: {  	[sflag:s12] =	ssyncset.done $0x0  }
0x167: {  	[sflag:s12] =	ssyncadd.s32 $0xFFFFE000  }
0x168: {  	[spmem:s4] =	stream.indirect.scatter.add.f32 [tilespmem:s10], [sflag:$0x9], $0x1, s14, s17, $0xb8;
	[tilespmem:$0x1D300] =	vst v63  }
0x169: {  	s24 =	simm.s32 $0x780  }
0x16a: {  	[tilespmem:s23], [sflag:$0x4] =	stream.indirect.gather [hbm4b:s0+s17], $0x80, s24, s17, $0xb8;
	[tilespmem:$0x1D300] =	vst v63  }
0x16b: {  	_ =	swait.ge [sflag:s26], $0x2000  }
0x16c: {  	[sflag:s26] =	ssyncset.done $0x0  }
0x16d: {  	s30 =	simm.s32 $0xE00;
	[sflag:s26] =	ssyncadd.s32 $0xFFFFE000  }
0x16e: {  	[spmem:s2] =	stream.indirect.scatter.add.f32 [tilespmem:s20], [sflag:$0xA], $0x80, s30, s17, $0xb8;
	[tilespmem:$0x1D300] =	vst v63  }
0x16f: {  	_ =	swait.ge [sflag:s12], $0x2000  }
0x170: {  	[sflag:s12] =	ssyncset.done $0x0  }
0x171: {  	[sflag:s12] =	ssyncadd.s32 $0xFFFFE000  }
0x172: {  	[spmem:s4] =	stream.indirect.scatter.add.f32 [tilespmem:s10], [sflag:$0x9], $0x1, s30, s17, $0xb8;
	[tilespmem:$0x1D300] =	vst v63  }
0x173: {  	_ =	swait.ge [sflag:s15], $0x400  }
0x174: {  	[sflag:s15] =	ssyncset.done $0x0  }
0x175: {  	[sflag:s15] =	ssyncadd.s32 $0xFFFFFC00  }
0x176: {  	_ =	swait.ge [sflag:s16], $0x400  }
0x177: {  	p1 =	seq.s32 s11, $0x12;
	[sflag:s16] =	ssyncset.done $0x0  }
0x178: {  	s14 =	simm.s32 @p1 $0x2;
	[sflag:s16] =	ssyncadd.s32 $0xFFFFFC00  }
0x179: {  	_ =	swait.ge @p1 [sflag:s14], $0x2000  }
0x17a: {  	s24 =	simm.s32 @p1 $0xE80;
	[sflag:s14] =	ssyncset.done @p1 $0x0  }
0x17b: {  	s30 =	simm.s32 @p1 $0x3000;
	[sflag:s14] =	ssyncadd.s32 @p1 $0xFFFFE000;
	s14 =	simm.s32 @p1 $0x40  }
0x17c: {  	[spmem:s2] =	stream.indirect.scatter.add.f32 @p1 [tilespmem:s30], [sflag:$0xA], $0x80, s24, s14, $0xb8;
	[tilespmem:$0x1D300] =	vst v63  }
0x17d: {  	s30 =	simm.s32 @p1 $0xA  }
0x17e: {  	_ =	swait.ge @p1 [sflag:s30], $0x2000  }
0x17f: {  	[sflag:s30] =	ssyncset.done @p1 $0x0  }
0x180: {  	[sflag:s30] =	ssyncadd.s32 @p1 $0xFFFFE000;
	s30 =	simm.s32 @p1 $0x9000  }
0x181: {  	[spmem:s4] =	stream.indirect.scatter.add.f32 @p1 [tilespmem:s30], [sflag:$0x9], $0x1, s24, s14, $0xb8;
	[tilespmem:$0x1D300] =	vst v63  }
0x182: {  	s14 =	simm.s32 @!p1 $0x40;
	s24 =	simm.s32 @!p1 $0x0;
	s30 =	simm.s32 @!p1 $0x1000  }
0x183: {  	[tilespmem:s30], [sflag:$0x1] =	stream.indirect.gather @!p1 [hbm4b:s0+s14], $0x80, s24, s14, $0xb8;
	[tilespmem:$0x1D300] =	vst v63  }
0x184: {  	s24 =	simm.s32 @!p1 $0x2  }
0x185: {  	_ =	swait.ge @!p1 [sflag:s24], $0x2000  }
0x186: {  	s5 =	simm.s32 @!p1 $0xA;
	[sflag:s24] =	ssyncset.done @!p1 $0x0  }
0x187: {  	s30 =	simm.s32 @!p1 $0x3000;
	[sflag:s24] =	ssyncadd.s32 @!p1 $0xFFFFE000;
	s24 =	simm.s32 @!p1 $0xE80  }
0x188: {  	[spmem:s2] =	stream.indirect.scatter.add.f32 @!p1 [tilespmem:s30], [sflag:$0xA], $0x80, s24, s14, $0xb8;
	[tilespmem:$0x1D300] =	vst v63  }
0x189: {  	_ =	swait.ge @!p1 [sflag:s5], $0x2000  }
0x18a: {  	[sflag:s5] =	ssyncset.done @!p1 $0x0  }
0x18b: {  	[sflag:s5] =	ssyncadd.s32 @!p1 $0xFFFFE000;
	s5 =	simm.s32 @!p1 $0x9000  }
0x18c: {  	[spmem:s4] =	stream.indirect.scatter.add.f32 @!p1 [tilespmem:s5], [sflag:$0x9], $0x1, s24, s14, $0xb8;
	[tilespmem:$0x1D300] =	vst v63  }
0x18d: {  	s5 =	simm.s32 @!p1 $0x80  }
0x18e: {  	[tilespmem:s30], [sflag:$0x2] =	stream.indirect.gather @!p1 [hbm4b:s0+s14], $0x80, s5, s14, $0xb8;
	[tilespmem:$0x1D300] =	vst v63  }
0x18f: {  	_ =	swait.ge [sflag:s3], $0x2000  }
0x190: {  	[sflag:s3] =	ssyncset.done $0x0  }
0x191: {  	[sflag:s3] =	ssyncadd.s32 $0xFFFFE000  }
0x192: {  	[spmem:s2] =	stream.indirect.scatter.add.f32 [tilespmem:s22], [sflag:$0xA], $0x80, s9, s17, $0xb8;
	[tilespmem:$0x1D300] =	vst v63  }
.Ltmp2:
0x193: {  	_ = 	snop;
	(pc) =	sbr.rel @p1 .LBB2_4-.Ltmp2, $4  }
0x194: {  	_ =	swait.ge [sflag:s12], $0x2000  }
0x195: {  	[sflag:s12] =	ssyncset.done $0x0  }
0x196: {  	[sflag:s12] =	ssyncadd.s32 $0xFFFFE000  }
0x197: {  	[spmem:s4] =	stream.indirect.scatter.add.f32 [tilespmem:s10], [sflag:$0x9], $0x1, s9, s17, $0xb8;
	[tilespmem:$0x1D300] =	vst v63  }
0x198: {  	s5 =	simm.s32 $0x100  }
0x199: {  	[tilespmem:s22], [sflag:$0x3] =	stream.indirect.gather [hbm4b:s0+s17], $0x80, s5, s17, $0xb8;
	[tilespmem:$0x1D300] =	vst v63  }
0x19a: {  	_ =	swait.ge [sflag:s8], $0x2000  }
0x19b: {  	[sflag:s8] =	ssyncset.done $0x0  }
0x19c: {  	[sflag:s8] =	ssyncadd.s32 $0xFFFFE000  }
0x19d: {  	[spmem:s2] =	stream.indirect.scatter.add.f32 [tilespmem:s23], [sflag:$0xA], $0x80, s18, s17, $0xb8;
	[tilespmem:$0x1D300] =	vst v63  }
0x19e: {  	_ =	swait.ge [sflag:s12], $0x2000  }
.Ltmp3:
0x19f: {  	[sflag:s12] =	ssyncset.done $0x0;
	(pc) =	sbr.rel .LBB2_2-.Ltmp3, $4  }
0x1a0: {  	s30 =	simm.s32 $0x180;
	[sflag:s12] =	ssyncadd.s32 $0xFFFFE000  }
0x1a1: {  	[spmem:s4] =	stream.indirect.scatter.add.f32 [tilespmem:s10], [sflag:$0x9], $0x1, s18, s17, $0xb8;
	[tilespmem:$0x1D300] =	vst v63  }
0x1a2: {  	s11 =	sadd.s32 $0x2, s11;
	s1 =	sadd.s32 $0x100, s1;
	s31 =	sadd.s32 $0x100, s31  }
0x1a3: {  	[tilespmem:s23], [sflag:$0x4] =	stream.indirect.gather [hbm4b:s0+s17], $0x80, s30, s17, $0xb8;
	[tilespmem:$0x1D300] =	vst v63  }
.LBB2_5:
0x1a4: {  	_ =	sfence.sel $0x180000  }
0x1a5: {  	[bflag:$0x0] =	sbarrier.arrive $0xFFFF  }
0x1a6: {  	_ =	strace $0x90000047  }
0x1a7: {  	[bflag:$0x2] =	sbarrier.arrive $0xFFFF  }
0x1a8: {  	s0 =	rddreg [dreg:$0x5]  }
0x1a9: {  	s0 =	sadd.s32 @!p0 $0x100000, s0  }
0x1aa: {  	[sflag:s0] =	ssyncadd.tile.s32 @!p0 $0x1;
	_ =	shalt  }
.Lfunc_end2:
_tile_overlayer_lowered:
.L_overlay_start_2:
0x1ab: {  	(tag) =	ssettag $0x2  }
0x1ac: {  	s0 =	rddreg [dreg:$0x0];
	s2 =	stileid.u32  }
0x1ad: {  	s1 =	rddreg [dreg:$0x1];
	p0 =	sne.s32 s2, $0x0  }
0x1ae: {  	s3 =	rddreg [dreg:$0x2];
	[bflag:$0x3] =	sbarrier.arrive $0xFFFF;
	s2 =	simm.s32 @!p0 $0x1C0A  }
0x1af: {  	[timem:s3], [sflag:s2] =	dma.local @!p0 [hbm:s0], s1  }
0x1b0: {  	s0 =	simm.s32 @!p0 $0xA  }
0x1b1: {  	_ =	swait.ge @!p0 [sflag:s0], s1  }
0x1b2: {  	s1 =	ssub.s32 @!p0 $0x0, s1;
	[sflag:s0] =	ssyncset.done @!p0 $0x0  }
0x1b3: {  	[sflag:s0] =	ssyncadd.s32 @!p0 s1  }
0x1b4: {  	[bflag:$0x3] =	sbarrier.arrive $0xFFFF  }
0x1b5: {  	_ =	shalt  }

</sc_bundles>
